<compile_context>
chip_gen: v7x
topology: tpu7x:2x2x1
jax: 0.10.2.dev20260603
libtpu: 0.0.44.dev20260713+nightly
codegen_flags: <defaults>
</compile_context>

<pallas_src>
import functools

import numpy as np
import jax
import jax.numpy as jnp
from jax import lax
from jax.experimental import pallas as pl
from jax.experimental.pallas import tpu as pltpu
from jax.experimental.pallas import tpu_sc as plsc

_B = 4096
_NT = 26
_V = 100000
_D = 16
_NE = _NT + 1
_NEP = 32
_ZW = _NEP * _NEP
_BB = 512
_GRID = _B // _BB

_NC, _NS = 2, 16
_NW = _NC * _NS
_CH = 128
_EPS = _B * _NT * _D
_CPW = _EPS // _NW // _CH
_GRP = 16


def _sc_gather(tbl1d, eidx3):
    mesh = plsc.VectorSubcoreMesh(core_axis_name="c", subcore_axis_name="s")

    @functools.partial(
        pl.kernel,
        mesh=mesh,
        out_type=jax.ShapeDtypeStruct((_NW, _CPW, _CH), jnp.float32),
        scratch_types=[
            pltpu.VMEM((_CPW, _CH), jnp.int32),
            pltpu.VMEM((_CPW, _CH), jnp.float32),
            pltpu.SemaphoreType.DMA,
        ],
        compiler_params=pltpu.CompilerParams(use_tc_tiling_on_sc=False),
    )
    def k(tbl_hbm, idx_hbm, out_hbm, idx_v, out_v, sem):
        wid = lax.axis_index("s") * _NC + lax.axis_index("c")
        pltpu.sync_copy(idx_hbm.at[wid], idx_v)

        def grp(c, carry):
            for k_ in range(_GRP):
                pltpu.async_copy(
                    tbl_hbm.at[idx_v.at[c * _GRP + k_]],
                    out_v.at[c * _GRP + k_], sem)

            @pl.when(c > 0)
            def _():
                for k_ in range(_GRP):
                    pltpu.make_async_copy(
                        tbl_hbm.at[idx_v.at[(c - 1) * _GRP + k_]],
                        out_v.at[(c - 1) * _GRP + k_], sem).wait()

            return carry

        ngrp = _CPW // _GRP
        lax.fori_loop(0, ngrp, grp, 0)
        for k_ in range(_GRP):
            pltpu.make_async_copy(
                tbl_hbm.at[idx_v.at[(ngrp - 1) * _GRP + k_]],
                out_v.at[(ngrp - 1) * _GRP + k_], sem).wait()
        pltpu.sync_copy(out_v, out_hbm.at[wid])

    return k(tbl1d, eidx3)


def _dot(a, b, dn):
    return lax.dot_general(a, b, (dn, ((), ())),
                           preferred_element_type=jnp.float32)


def _tc_body(dx, e, tgt, wb1, bb1, wb2, bb2, wb3, bb3, wb4, bb4,
             mx, me, wz2, wx, bt1, wt2, bt2, wt3, bt3, out):
    x = dx[...]
    x = jnp.maximum(_dot(x, wb1[...], ((1,), (1,))) + bb1[...], 0.0)
    x = jnp.maximum(_dot(x, wb2[...], ((1,), (1,))) + bb2[...], 0.0)
    x = jnp.maximum(_dot(x, wb3[...], ((1,), (1,))) + bb3[...], 0.0)
    x4 = jnp.maximum(_dot(x, wb4[...], ((1,), (1,))) + bb4[...], 0.0)

    tt = (_dot(mx[...], x4, ((1,), (1,)))
          + _dot(me[...], e[...], ((1,), (0,))))
    a = tt.reshape(_D, _NEP, _BB)

    z = None
    for d in range(_D):
        ad = a[d]
        term = ad[:, None, :] * ad[None, :, :]
        z = term if z is None else z + term
    zt = z.reshape(_ZW, _BB)

    h = _dot(wx[...], x4, ((1,), (1,))) + _dot(wz2[...], zt, ((1,), (0,)))
    h = jnp.maximum(h + bt1[...], 0.0)
    h = jnp.maximum(_dot(wt2[...], h, ((1,), (0,))) + bt2[...], 0.0)
    logit = _dot(wt3[...], h, ((1,), (0,))) + bt3[...]
    p = jax.nn.sigmoid(logit)

    t = tgt[0]
    eps = 1e-12
    c = (t * jnp.log(jnp.clip(p, eps, 1.0))
         + (1.0 - t) * jnp.log(jnp.clip(1.0 - p, eps, 1.0)))
    s = jnp.sum(c, axis=1, keepdims=True) * (-1.0 / _B)

    @pl.when(pl.program_id(0) == 0)
    def _():
        out[...] = jnp.zeros_like(s)

    out[...] += s


def _tc_loss(dxB, emb, tgt3, weights, interpret=False):
    full = lambda arr: pl.BlockSpec(arr.shape, lambda i: (0,) * arr.ndim)
    in_specs = [
        pl.BlockSpec((_BB, 13), lambda i: (i, 0)),
        pl.BlockSpec((_NT * _D, _BB), lambda i: (0, i)),
        pl.BlockSpec((1, 1, _BB), lambda i: (i, 0, 0)),
    ] + [full(w) for w in weights]
    return pl.pallas_call(
        _tc_body,
        grid=(_GRID,),
        in_specs=in_specs,
        out_specs=pl.BlockSpec((1, 1), lambda i: (0, 0)),
        out_shape=jax.ShapeDtypeStruct((1, 1), jnp.float32),
        interpret=interpret,
    )(dxB, emb, tgt3, *weights)


def _selection_mats():
    mx = np.zeros((_D * _NEP, _D), np.float32)
    d = np.arange(_D)
    mx[d * _NEP, d] = 1.0
    me = np.zeros((_D * _NEP, _NT * _D), np.float32)
    ent, dd = np.meshgrid(np.arange(1, _NE), d, indexing="ij")
    me[dd.ravel() * _NEP + ent.ravel(), (ent.ravel() - 1) * _D + dd.ravel()] = 1.0
    return jnp.asarray(mx), jnp.asarray(me)


def kernel(dense_x, lS_i, target, emb_tables, bot_Ws, bot_bs, top_Ws, top_bs):
    tbl1d = emb_tables.transpose(0, 2, 1).reshape(-1)
    doff = (jnp.arange(_D, dtype=jnp.int32) * _V)[None, :, None]
    toff = (jnp.arange(_NT, dtype=jnp.int32) * (_D * _V))[:, None, None]
    eidx3 = (lS_i[:, None, :] + toff + doff).reshape(_NW, _CPW, _CH)
    emb = _sc_gather(tbl1d, eidx3).reshape(_NT * _D, _B)

    tgt3 = target.reshape(_GRID, 1, _BB)
    mx, me = _selection_mats()
    cols = np.array([i * _NEP + j for i in range(_NE) for j in range(i)])
    wz2 = jnp.zeros((512, _ZW), jnp.float32).at[:, cols].set(top_Ws[0][:, _D:])
    wx = top_Ws[0][:, :_D]
    weights = [
        bot_Ws[0], bot_bs[0][None, :], bot_Ws[1], bot_bs[1][None, :],
        bot_Ws[2], bot_bs[2][None, :], bot_Ws[3], bot_bs[3][None, :],
        mx, me, wz2, wx, top_bs[0][:, None],
        top_Ws[1], top_bs[1][:, None], top_Ws[2], top_bs[2][:, None],
    ]
    loss = _tc_loss(dense_x, emb, tgt3, weights)
    return loss[0, 0]

# --- scband reference (transcript-rebuilt; emitter-appended) ---
"""Pipeline reference for scband-dist-train-model-9174050144651 (READ-ONLY COPY).

The authoritative reference and input builder live on the scoring server;
editing this copy changes nothing except your own understanding.
"""

import jax, jax.numpy as jnp
import numpy as np

LN_BOT = [13, 512, 256, 64, 16]
LN_TOP = [367, 512, 256, 1]
B = 4096
NT = 26
V = 100000
D = 16


def _make_mlp_params(key, ln):
    Ws, bs = [], []
    for i in range(len(ln) - 1):
        n, m = ln[i], ln[i + 1]
        k1, k2, key = jax.random.split(key, 3)
        std_w = np.sqrt(2.0 / (m + n))
        std_b = np.sqrt(1.0 / m)
        Ws.append(jax.random.normal(k1, (m, n), dtype=jnp.float32) * std_w)
        bs.append(jax.random.normal(k2, (m,), dtype=jnp.float32) * std_b)
    return Ws, bs


def setup_inputs(seed: int = 0):
    key = jax.random.key(seed)
    ks = jax.random.split(key, 8)
    dense_x = jax.random.normal(ks[0], (B, 13), dtype=jnp.float32)
    lS_i = jax.random.randint(ks[1], (NT, B), 0, V, dtype=jnp.int32)
    target = jax.random.uniform(ks[2], (B, 1), dtype=jnp.float32)
    emb_tables = jax.random.normal(ks[3], (NT, V, D), dtype=jnp.float32) * 0.01
    bot_Ws, bot_bs = _make_mlp_params(ks[4], LN_BOT)
    top_Ws, top_bs = _make_mlp_params(ks[5], LN_TOP)
    return {
        "dense_x": dense_x,
        "lS_i": lS_i,
        "target": target,
        "emb_tables": emb_tables,
        "bot_Ws": bot_Ws,
        "bot_bs": bot_bs,
        "top_Ws": top_Ws,
        "top_bs": top_bs,
    }


def _apply_mlp(x, Ws, bs, sigmoid_layer):
    for i, (W, b) in enumerate(zip(Ws, bs)):
        x = x @ W.T + b
        if i == sigmoid_layer:
            x = jax.nn.sigmoid(x)
        else:
            x = jax.nn.relu(x)
    return x


def reference(dense_x, lS_i, target, emb_tables, bot_Ws, bot_bs, top_Ws, top_bs):
    # bottom MLP on dense features
    x = _apply_mlp(dense_x, bot_Ws, bot_bs, -1)
    # embedding lookups: one row per table per sample (apply_emb)
    ly = [jnp.take(emb_tables[t], lS_i[t], axis=0) for t in range(NT)]
    # dot feature interaction
    batch_size, d = x.shape
    T = jnp.concatenate([x] + ly, axis=1).reshape(batch_size, -1, d)
    Z = jnp.einsum("bij,bkj->bik", T, T)
    ni = T.shape[1]
    offset = 0  # interact_itself=False
    li = np.array([i for i in range(ni) for j in range(i + offset)])
    lj = np.array([j for i in range(ni) for j in range(i + offset)])
    Zflat = Z[:, li, lj]
    R = jnp.concatenate([x, Zflat], axis=1)
    # top MLP with sigmoid on last layer (sigmoid_top=2)
    p = _apply_mlp(R, top_Ws, top_bs, 2)
    # BCE loss, mean reduction
    eps = 1e-12
    loss = -jnp.mean(target * jnp.log(jnp.clip(p, eps, 1.0)) + (1.0 - target) * jnp.log(jnp.clip(1.0 - p, eps, 1.0)))
    return loss

if __name__ == "__main__":
    import jax
    _d = setup_inputs()
    print(jax.jit(kernel)(*tuple(_d.values())))

</pallas_src>

<mosaic_0001>
#map = affine_map<(d0, d1) -> (0)>
#map1 = affine_map<(d0, d1) -> (0, 0, 0)>
module attributes {stable_mosaic.version = 14 : i64} {
  func.func @k(%arg0: i32, %arg1: i32, %arg2: memref<41600000xf32, #tpu.memory_space<hbm>>, %arg3: memref<32x416x128xi32, #tpu.memory_space<hbm>>, %arg4: memref<32x416x128xf32, #tpu.memory_space<hbm>>, %arg5: memref<416x128xi32, #tpu.memory_space<vmem>>, %arg6: memref<416x128xf32, #tpu.memory_space<vmem>>, %arg7: memref<!tpu.dma_semaphore, #tpu.memory_space<semaphore_mem>>) attributes {dimension_semantics = [#tpu.dimension_semantics<core_parallel>, #tpu.dimension_semantics<subcore_parallel>], iteration_bounds = array<i64: 2, 16>, scalar_prefetch = 0 : i64, scratch_operands = 3 : i64, tpu.core_type = #tpu.core_type<sc_vector_subcore>, window_params = [{transform_indices = #map}, {transform_indices = #map1}, {transform_indices = #map1}]} {
    %mul3A = arith.constant 2 : i32
    %mul3A_0 = arith.muli %arg1, %mul3A : i32
    %add3A = arith.addi %mul3A_0, %arg0 : i32
    "tpu.region"() ({
      %run_scoped3A = tpu.sem_alloc : memref<!tpu.dma_semaphore, #tpu.memory_space<semaphore_mem>>
      %dma_start3A = arith.constant 0 : i32
      %dma_start3A_165 = arith.constant 0 : i32
      %dma_start3A_166 = tpu.memref_slice %arg3[%add3A, %dma_start3A, %dma_start3A_165] : memref<32x416x128xi32, #tpu.memory_space<hbm>> -> memref<1x416x128xi32, #tpu.memory_space<hbm>>
      %dma_start3A_167 = tpu.memref_squeeze %dma_start3A_166 : memref<1x416x128xi32, #tpu.memory_space<hbm>> -> memref<416x128xi32, #tpu.memory_space<hbm>>
      %dma_start3A_168 = arith.constant 0 : i32
      %dma_start3A_169 = arith.constant 0 : i32
      %dma_start3A_170 = tpu.memref_slice %arg3[%add3A, %dma_start3A_168, %dma_start3A_169] : memref<32x416x128xi32, #tpu.memory_space<hbm>> -> memref<1x416x128xi32, #tpu.memory_space<hbm>>
      %dma_start3A_171 = tpu.memref_squeeze %dma_start3A_170 : memref<1x416x128xi32, #tpu.memory_space<hbm>> -> memref<416x128xi32, #tpu.memory_space<hbm>>
      tpu.enqueue_dma source(%dma_start3A_171 : memref<416x128xi32, #tpu.memory_space<hbm>>) target(%arg5 : memref<416x128xi32, #tpu.memory_space<vmem>>) target_semaphore(%run_scoped3A : memref<!tpu.dma_semaphore, #tpu.memory_space<semaphore_mem>>)
      %dma_wait3A_172 = arith.constant 0 : i32
      %dma_wait3A_173 = arith.constant 0 : i32
      %dma_wait3A_174 = tpu.memref_slice %arg3[%add3A, %dma_wait3A_172, %dma_wait3A_173] : memref<32x416x128xi32, #tpu.memory_space<hbm>> -> memref<1x416x128xi32, #tpu.memory_space<hbm>>
      %dma_wait3A_175 = tpu.memref_squeeze %dma_wait3A_174 : memref<1x416x128xi32, #tpu.memory_space<hbm>> -> memref<416x128xi32, #tpu.memory_space<hbm>>
      %dma_wait3A_176 = arith.constant 0 : i32
      %dma_wait3A_177 = arith.constant 0 : i32
      %dma_wait3A_178 = tpu.memref_slice %arg3[%add3A, %dma_wait3A_176, %dma_wait3A_177] : memref<32x416x128xi32, #tpu.memory_space<hbm>> -> memref<1x416x128xi32, #tpu.memory_space<hbm>>
      %dma_wait3A_179 = tpu.memref_squeeze %dma_wait3A_178 : memref<1x416x128xi32, #tpu.memory_space<hbm>> -> memref<416x128xi32, #tpu.memory_space<hbm>>
      tpu.wait_dma2 semaphore(%run_scoped3A : memref<!tpu.dma_semaphore, #tpu.memory_space<semaphore_mem>>) src(%dma_wait3A_179 : memref<416x128xi32, #tpu.memory_space<hbm>>) dst(%arg5 : memref<416x128xi32, #tpu.memory_space<vmem>>)
      tpu.yield
    }) : () -> ()
    %scan3A = arith.constant 0 : i32
    %scan3A_1 = arith.constant 0 : i32
    %scan3A_2 = arith.constant 26 : i32
    %scan3A_3 = arith.addi %scan3A_1, %scan3A_2 : i32
    %scan3A_4 = arith.constant 1 : i32
    scf.for %scan3A_165 = %scan3A_1 to %scan3A_3 step %scan3A_4  : i32 {
      %mul3A_166 = arith.constant 16 : i32
      %mul3A_167 = arith.muli %scan3A_165, %mul3A_166 : i32
      %add3A_168 = arith.constant 0 : i32
      %add3A_169 = arith.addi %mul3A_167, %add3A_168 : i32
      %mul3A_170 = arith.constant 16 : i32
      %mul3A_171 = arith.muli %scan3A_165, %mul3A_170 : i32
      %add3A_172 = arith.constant 0 : i32
      %add3A_173 = arith.addi %mul3A_171, %add3A_172 : i32
      %dma_start3A = arith.constant 0 : i32
      %dma_start3A_174 = tpu.memref_slice %arg6[%add3A_173, %dma_start3A] : memref<416x128xf32, #tpu.memory_space<vmem>> -> memref<1x128xf32, #tpu.memory_space<vmem>>
      %dma_start3A_175 = tpu.memref_squeeze %dma_start3A_174 : memref<1x128xf32, #tpu.memory_space<vmem>> -> memref<128xf32, #tpu.memory_space<vmem>>
      %dma_start3A_176 = arith.constant 0 : i32
      %dma_start3A_177 = tpu.memref_slice %arg5[%add3A_169, %dma_start3A_176] : memref<416x128xi32, #tpu.memory_space<vmem>> -> memref<1x128xi32, #tpu.memory_space<vmem>>
      %dma_start3A_178 = tpu.memref_squeeze %dma_start3A_177 : memref<1x128xi32, #tpu.memory_space<vmem>> -> memref<128xi32, #tpu.memory_space<vmem>>
      %dma_start3A_179 = arith.constant 0 : i32
      %dma_start3A_180 = tpu.memref_slice %arg2[%dma_start3A_179] : memref<41600000xf32, #tpu.memory_space<hbm>> -> memref<41600000xf32, #tpu.memory_space<hbm>>
      tpu.enqueue_indirect_dma source(%dma_start3A_180 : memref<41600000xf32, #tpu.memory_space<hbm>>) target(%dma_start3A_175 : memref<128xf32, #tpu.memory_space<vmem>>) offsets(%dma_start3A_178 : memref<128xi32, #tpu.memory_space<vmem>>) semaphore(%arg7 : memref<!tpu.dma_semaphore, #tpu.memory_space<semaphore_mem>>)
      %mul3A_181 = arith.constant 16 : i32
      %mul3A_182 = arith.muli %scan3A_165, %mul3A_181 : i32
      %add3A_183 = arith.constant 1 : i32
      %add3A_184 = arith.addi %mul3A_182, %add3A_183 : i32
      %mul3A_185 = arith.constant 16 : i32
      %mul3A_186 = arith.muli %scan3A_165, %mul3A_185 : i32
      %add3A_187 = arith.constant 1 : i32
      %add3A_188 = arith.addi %mul3A_186, %add3A_187 : i32
      %dma_start3A_189 = arith.constant 0 : i32
      %dma_start3A_190 = tpu.memref_slice %arg6[%add3A_188, %dma_start3A_189] : memref<416x128xf32, #tpu.memory_space<vmem>> -> memref<1x128xf32, #tpu.memory_space<vmem>>
      %dma_start3A_191 = tpu.memref_squeeze %dma_start3A_190 : memref<1x128xf32, #tpu.memory_space<vmem>> -> memref<128xf32, #tpu.memory_space<vmem>>
      %dma_start3A_192 = arith.constant 0 : i32
      %dma_start3A_193 = tpu.memref_slice %arg5[%add3A_184, %dma_start3A_192] : memref<416x128xi32, #tpu.memory_space<vmem>> -> memref<1x128xi32, #tpu.memory_space<vmem>>
      %dma_start3A_194 = tpu.memref_squeeze %dma_start3A_193 : memref<1x128xi32, #tpu.memory_space<vmem>> -> memref<128xi32, #tpu.memory_space<vmem>>
      %dma_start3A_195 = arith.constant 0 : i32
      %dma_start3A_196 = tpu.memref_slice %arg2[%dma_start3A_195] : memref<41600000xf32, #tpu.memory_space<hbm>> -> memref<41600000xf32, #tpu.memory_space<hbm>>
      tpu.enqueue_indirect_dma source(%dma_start3A_196 : memref<41600000xf32, #tpu.memory_space<hbm>>) target(%dma_start3A_191 : memref<128xf32, #tpu.memory_space<vmem>>) offsets(%dma_start3A_194 : memref<128xi32, #tpu.memory_space<vmem>>) semaphore(%arg7 : memref<!tpu.dma_semaphore, #tpu.memory_space<semaphore_mem>>)
      %mul3A_197 = arith.constant 16 : i32
      %mul3A_198 = arith.muli %scan3A_165, %mul3A_197 : i32
      %add3A_199 = arith.constant 2 : i32
      %add3A_200 = arith.addi %mul3A_198, %add3A_199 : i32
      %mul3A_201 = arith.constant 16 : i32
      %mul3A_202 = arith.muli %scan3A_165, %mul3A_201 : i32
      %add3A_203 = arith.constant 2 : i32
      %add3A_204 = arith.addi %mul3A_202, %add3A_203 : i32
      %dma_start3A_205 = arith.constant 0 : i32
      %dma_start3A_206 = tpu.memref_slice %arg6[%add3A_204, %dma_start3A_205] : memref<416x128xf32, #tpu.memory_space<vmem>> -> memref<1x128xf32, #tpu.memory_space<vmem>>
      %dma_start3A_207 = tpu.memref_squeeze %dma_start3A_206 : memref<1x128xf32, #tpu.memory_space<vmem>> -> memref<128xf32, #tpu.memory_space<vmem>>
      %dma_start3A_208 = arith.constant 0 : i32
      %dma_start3A_209 = tpu.memref_slice %arg5[%add3A_200, %dma_start3A_208] : memref<416x128xi32, #tpu.memory_space<vmem>> -> memref<1x128xi32, #tpu.memory_space<vmem>>
      %dma_start3A_210 = tpu.memref_squeeze %dma_start3A_209 : memref<1x128xi32, #tpu.memory_space<vmem>> -> memref<128xi32, #tpu.memory_space<vmem>>
      %dma_start3A_211 = arith.constant 0 : i32
      %dma_start3A_212 = tpu.memref_slice %arg2[%dma_start3A_211] : memref<41600000xf32, #tpu.memory_space<hbm>> -> memref<41600000xf32, #tpu.memory_space<hbm>>
      tpu.enqueue_indirect_dma source(%dma_start3A_212 : memref<41600000xf32, #tpu.memory_space<hbm>>) target(%dma_start3A_207 : memref<128xf32, #tpu.memory_space<vmem>>) offsets(%dma_start3A_210 : memref<128xi32, #tpu.memory_space<vmem>>) semaphore(%arg7 : memref<!tpu.dma_semaphore, #tpu.memory_space<semaphore_mem>>)
      %mul3A_213 = arith.constant 16 : i32
      %mul3A_214 = arith.muli %scan3A_165, %mul3A_213 : i32
      %add3A_215 = arith.constant 3 : i32
      %add3A_216 = arith.addi %mul3A_214, %add3A_215 : i32
      %mul3A_217 = arith.constant 16 : i32
      %mul3A_218 = arith.muli %scan3A_165, %mul3A_217 : i32
      %add3A_219 = arith.constant 3 : i32
      %add3A_220 = arith.addi %mul3A_218, %add3A_219 : i32
      %dma_start3A_221 = arith.constant 0 : i32
      %dma_start3A_222 = tpu.memref_slice %arg6[%add3A_220, %dma_start3A_221] : memref<416x128xf32, #tpu.memory_space<vmem>> -> memref<1x128xf32, #tpu.memory_space<vmem>>
      %dma_start3A_223 = tpu.memref_squeeze %dma_start3A_222 : memref<1x128xf32, #tpu.memory_space<vmem>> -> memref<128xf32, #tpu.memory_space<vmem>>
      %dma_start3A_224 = arith.constant 0 : i32
      %dma_start3A_225 = tpu.memref_slice %arg5[%add3A_216, %dma_start3A_224] : memref<416x128xi32, #tpu.memory_space<vmem>> -> memref<1x128xi32, #tpu.memory_space<vmem>>
      %dma_start3A_226 = tpu.memref_squeeze %dma_start3A_225 : memref<1x128xi32, #tpu.memory_space<vmem>> -> memref<128xi32, #tpu.memory_space<vmem>>
      %dma_start3A_227 = arith.constant 0 : i32
      %dma_start3A_228 = tpu.memref_slice %arg2[%dma_start3A_227] : memref<41600000xf32, #tpu.memory_space<hbm>> -> memref<41600000xf32, #tpu.memory_space<hbm>>
      tpu.enqueue_indirect_dma source(%dma_start3A_228 : memref<41600000xf32, #tpu.memory_space<hbm>>) target(%dma_start3A_223 : memref<128xf32, #tpu.memory_space<vmem>>) offsets(%dma_start3A_226 : memref<128xi32, #tpu.memory_space<vmem>>) semaphore(%arg7 : memref<!tpu.dma_semaphore, #tpu.memory_space<semaphore_mem>>)
      %mul3A_229 = arith.constant 16 : i32
      %mul3A_230 = arith.muli %scan3A_165, %mul3A_229 : i32
      %add3A_231 = arith.constant 4 : i32
      %add3A_232 = arith.addi %mul3A_230, %add3A_231 : i32
      %mul3A_233 = arith.constant 16 : i32
      %mul3A_234 = arith.muli %scan3A_165, %mul3A_233 : i32
      %add3A_235 = arith.constant 4 : i32
      %add3A_236 = arith.addi %mul3A_234, %add3A_235 : i32
      %dma_start3A_237 = arith.constant 0 : i32
      %dma_start3A_238 = tpu.memref_slice %arg6[%add3A_236, %dma_start3A_237] : memref<416x128xf32, #tpu.memory_space<vmem>> -> memref<1x128xf32, #tpu.memory_space<vmem>>
      %dma_start3A_239 = tpu.memref_squeeze %dma_start3A_238 : memref<1x128xf32, #tpu.memory_space<vmem>> -> memref<128xf32, #tpu.memory_space<vmem>>
      %dma_start3A_240 = arith.constant 0 : i32
      %dma_start3A_241 = tpu.memref_slice %arg5[%add3A_232, %dma_start3A_240] : memref<416x128xi32, #tpu.memory_space<vmem>> -> memref<1x128xi32, #tpu.memory_space<vmem>>
      %dma_start3A_242 = tpu.memref_squeeze %dma_start3A_241 : memref<1x128xi32, #tpu.memory_space<vmem>> -> memref<128xi32, #tpu.memory_space<vmem>>
      %dma_start3A_243 = arith.constant 0 : i32
      %dma_start3A_244 = tpu.memref_slice %arg2[%dma_start3A_243] : memref<41600000xf32, #tpu.memory_space<hbm>> -> memref<41600000xf32, #tpu.memory_space<hbm>>
      tpu.enqueue_indirect_dma source(%dma_start3A_244 : memref<41600000xf32, #tpu.memory_space<hbm>>) target(%dma_start3A_239 : memref<128xf32, #tpu.memory_space<vmem>>) offsets(%dma_start3A_242 : memref<128xi32, #tpu.memory_space<vmem>>) semaphore(%arg7 : memref<!tpu.dma_semaphore, #tpu.memory_space<semaphore_mem>>)
      %mul3A_245 = arith.constant 16 : i32
      %mul3A_246 = arith.muli %scan3A_165, %mul3A_245 : i32
      %add3A_247 = arith.constant 5 : i32
      %add3A_248 = arith.addi %mul3A_246, %add3A_247 : i32
      %mul3A_249 = arith.constant 16 : i32
      %mul3A_250 = arith.muli %scan3A_165, %mul3A_249 : i32
      %add3A_251 = arith.constant 5 : i32
      %add3A_252 = arith.addi %mul3A_250, %add3A_251 : i32
      %dma_start3A_253 = arith.constant 0 : i32
      %dma_start3A_254 = tpu.memref_slice %arg6[%add3A_252, %dma_start3A_253] : memref<416x128xf32, #tpu.memory_space<vmem>> -> memref<1x128xf32, #tpu.memory_space<vmem>>
      %dma_start3A_255 = tpu.memref_squeeze %dma_start3A_254 : memref<1x128xf32, #tpu.memory_space<vmem>> -> memref<128xf32, #tpu.memory_space<vmem>>
      %dma_start3A_256 = arith.constant 0 : i32
      %dma_start3A_257 = tpu.memref_slice %arg5[%add3A_248, %dma_start3A_256] : memref<416x128xi32, #tpu.memory_space<vmem>> -> memref<1x128xi32, #tpu.memory_space<vmem>>
      %dma_start3A_258 = tpu.memref_squeeze %dma_start3A_257 : memref<1x128xi32, #tpu.memory_space<vmem>> -> memref<128xi32, #tpu.memory_space<vmem>>
      %dma_start3A_259 = arith.constant 0 : i32
      %dma_start3A_260 = tpu.memref_slice %arg2[%dma_start3A_259] : memref<41600000xf32, #tpu.memory_space<hbm>> -> memref<41600000xf32, #tpu.memory_space<hbm>>
      tpu.enqueue_indirect_dma source(%dma_start3A_260 : memref<41600000xf32, #tpu.memory_space<hbm>>) target(%dma_start3A_255 : memref<128xf32, #tpu.memory_space<vmem>>) offsets(%dma_start3A_258 : memref<128xi32, #tpu.memory_space<vmem>>) semaphore(%arg7 : memref<!tpu.dma_semaphore, #tpu.memory_space<semaphore_mem>>)
      %mul3A_261 = arith.constant 16 : i32
      %mul3A_262 = arith.muli %scan3A_165, %mul3A_261 : i32
      %add3A_263 = arith.constant 6 : i32
      %add3A_264 = arith.addi %mul3A_262, %add3A_263 : i32
      %mul3A_265 = arith.constant 16 : i32
      %mul3A_266 = arith.muli %scan3A_165, %mul3A_265 : i32
      %add3A_267 = arith.constant 6 : i32
      %add3A_268 = arith.addi %mul3A_266, %add3A_267 : i32
      %dma_start3A_269 = arith.constant 0 : i32
      %dma_start3A_270 = tpu.memref_slice %arg6[%add3A_268, %dma_start3A_269] : memref<416x128xf32, #tpu.memory_space<vmem>> -> memref<1x128xf32, #tpu.memory_space<vmem>>
      %dma_start3A_271 = tpu.memref_squeeze %dma_start3A_270 : memref<1x128xf32, #tpu.memory_space<vmem>> -> memref<128xf32, #tpu.memory_space<vmem>>
      %dma_start3A_272 = arith.constant 0 : i32
      %dma_start3A_273 = tpu.memref_slice %arg5[%add3A_264, %dma_start3A_272] : memref<416x128xi32, #tpu.memory_space<vmem>> -> memref<1x128xi32, #tpu.memory_space<vmem>>
      %dma_start3A_274 = tpu.memref_squeeze %dma_start3A_273 : memref<1x128xi32, #tpu.memory_space<vmem>> -> memref<128xi32, #tpu.memory_space<vmem>>
      %dma_start3A_275 = arith.constant 0 : i32
      %dma_start3A_276 = tpu.memref_slice %arg2[%dma_start3A_275] : memref<41600000xf32, #tpu.memory_space<hbm>> -> memref<41600000xf32, #tpu.memory_space<hbm>>
      tpu.enqueue_indirect_dma source(%dma_start3A_276 : memref<41600000xf32, #tpu.memory_space<hbm>>) target(%dma_start3A_271 : memref<128xf32, #tpu.memory_space<vmem>>) offsets(%dma_start3A_274 : memref<128xi32, #tpu.memory_space<vmem>>) semaphore(%arg7 : memref<!tpu.dma_semaphore, #tpu.memory_space<semaphore_mem>>)
      %mul3A_277 = arith.constant 16 : i32
      %mul3A_278 = arith.muli %scan3A_165, %mul3A_277 : i32
      %add3A_279 = arith.constant 7 : i32
      %add3A_280 = arith.addi %mul3A_278, %add3A_279 : i32
      %mul3A_281 = arith.constant 16 : i32
      %mul3A_282 = arith.muli %scan3A_165, %mul3A_281 : i32
      %add3A_283 = arith.constant 7 : i32
      %add3A_284 = arith.addi %mul3A_282, %add3A_283 : i32
      %dma_start3A_285 = arith.constant 0 : i32
      %dma_start3A_286 = tpu.memref_slice %arg6[%add3A_284, %dma_start3A_285] : memref<416x128xf32, #tpu.memory_space<vmem>> -> memref<1x128xf32, #tpu.memory_space<vmem>>
      %dma_start3A_287 = tpu.memref_squeeze %dma_start3A_286 : memref<1x128xf32, #tpu.memory_space<vmem>> -> memref<128xf32, #tpu.memory_space<vmem>>
      %dma_start3A_288 = arith.constant 0 : i32
      %dma_start3A_289 = tpu.memref_slice %arg5[%add3A_280, %dma_start3A_288] : memref<416x128xi32, #tpu.memory_space<vmem>> -> memref<1x128xi32, #tpu.memory_space<vmem>>
      %dma_start3A_290 = tpu.memref_squeeze %dma_start3A_289 : memref<1x128xi32, #tpu.memory_space<vmem>> -> memref<128xi32, #tpu.memory_space<vmem>>
      %dma_start3A_291 = arith.constant 0 : i32
      %dma_start3A_292 = tpu.memref_slice %arg2[%dma_start3A_291] : memref<41600000xf32, #tpu.memory_space<hbm>> -> memref<41600000xf32, #tpu.memory_space<hbm>>
      tpu.enqueue_indirect_dma source(%dma_start3A_292 : memref<41600000xf32, #tpu.memory_space<hbm>>) target(%dma_start3A_287 : memref<128xf32, #tpu.memory_space<vmem>>) offsets(%dma_start3A_290 : memref<128xi32, #tpu.memory_space<vmem>>) semaphore(%arg7 : memref<!tpu.dma_semaphore, #tpu.memory_space<semaphore_mem>>)
      %mul3A_293 = arith.constant 16 : i32
      %mul3A_294 = arith.muli %scan3A_165, %mul3A_293 : i32
      %add3A_295 = arith.constant 8 : i32
      %add3A_296 = arith.addi %mul3A_294, %add3A_295 : i32
      %mul3A_297 = arith.constant 16 : i32
      %mul3A_298 = arith.muli %scan3A_165, %mul3A_297 : i32
      %add3A_299 = arith.constant 8 : i32
      %add3A_300 = arith.addi %mul3A_298, %add3A_299 : i32
      %dma_start3A_301 = arith.constant 0 : i32
      %dma_start3A_302 = tpu.memref_slice %arg6[%add3A_300, %dma_start3A_301] : memref<416x128xf32, #tpu.memory_space<vmem>> -> memref<1x128xf32, #tpu.memory_space<vmem>>
      %dma_start3A_303 = tpu.memref_squeeze %dma_start3A_302 : memref<1x128xf32, #tpu.memory_space<vmem>> -> memref<128xf32, #tpu.memory_space<vmem>>
      %dma_start3A_304 = arith.constant 0 : i32
      %dma_start3A_305 = tpu.memref_slice %arg5[%add3A_296, %dma_start3A_304] : memref<416x128xi32, #tpu.memory_space<vmem>> -> memref<1x128xi32, #tpu.memory_space<vmem>>
      %dma_start3A_306 = tpu.memref_squeeze %dma_start3A_305 : memref<1x128xi32, #tpu.memory_space<vmem>> -> memref<128xi32, #tpu.memory_space<vmem>>
      %dma_start3A_307 = arith.constant 0 : i32
      %dma_start3A_308 = tpu.memref_slice %arg2[%dma_start3A_307] : memref<41600000xf32, #tpu.memory_space<hbm>> -> memref<41600000xf32, #tpu.memory_space<hbm>>
      tpu.enqueue_indirect_dma source(%dma_start3A_308 : memref<41600000xf32, #tpu.memory_space<hbm>>) target(%dma_start3A_303 : memref<128xf32, #tpu.memory_space<vmem>>) offsets(%dma_start3A_306 : memref<128xi32, #tpu.memory_space<vmem>>) semaphore(%arg7 : memref<!tpu.dma_semaphore, #tpu.memory_space<semaphore_mem>>)
      %mul3A_309 = arith.constant 16 : i32
      %mul3A_310 = arith.muli %scan3A_165, %mul3A_309 : i32
      %add3A_311 = arith.constant 9 : i32
      %add3A_312 = arith.addi %mul3A_310, %add3A_311 : i32
      %mul3A_313 = arith.constant 16 : i32
      %mul3A_314 = arith.muli %scan3A_165, %mul3A_313 : i32
      %add3A_315 = arith.constant 9 : i32
      %add3A_316 = arith.addi %mul3A_314, %add3A_315 : i32
      %dma_start3A_317 = arith.constant 0 : i32
      %dma_start3A_318 = tpu.memref_slice %arg6[%add3A_316, %dma_start3A_317] : memref<416x128xf32, #tpu.memory_space<vmem>> -> memref<1x128xf32, #tpu.memory_space<vmem>>
      %dma_start3A_319 = tpu.memref_squeeze %dma_start3A_318 : memref<1x128xf32, #tpu.memory_space<vmem>> -> memref<128xf32, #tpu.memory_space<vmem>>
      %dma_start3A_320 = arith.constant 0 : i32
      %dma_start3A_321 = tpu.memref_slice %arg5[%add3A_312, %dma_start3A_320] : memref<416x128xi32, #tpu.memory_space<vmem>> -> memref<1x128xi32, #tpu.memory_space<vmem>>
      %dma_start3A_322 = tpu.memref_squeeze %dma_start3A_321 : memref<1x128xi32, #tpu.memory_space<vmem>> -> memref<128xi32, #tpu.memory_space<vmem>>
      %dma_start3A_323 = arith.constant 0 : i32
      %dma_start3A_324 = tpu.memref_slice %arg2[%dma_start3A_323] : memref<41600000xf32, #tpu.memory_space<hbm>> -> memref<41600000xf32, #tpu.memory_space<hbm>>
      tpu.enqueue_indirect_dma source(%dma_start3A_324 : memref<41600000xf32, #tpu.memory_space<hbm>>) target(%dma_start3A_319 : memref<128xf32, #tpu.memory_space<vmem>>) offsets(%dma_start3A_322 : memref<128xi32, #tpu.memory_space<vmem>>) semaphore(%arg7 : memref<!tpu.dma_semaphore, #tpu.memory_space<semaphore_mem>>)
      %mul3A_325 = arith.constant 16 : i32
      %mul3A_326 = arith.muli %scan3A_165, %mul3A_325 : i32
      %add3A_327 = arith.constant 10 : i32
      %add3A_328 = arith.addi %mul3A_326, %add3A_327 : i32
      %mul3A_329 = arith.constant 16 : i32
      %mul3A_330 = arith.muli %scan3A_165, %mul3A_329 : i32
      %add3A_331 = arith.constant 10 : i32
      %add3A_332 = arith.addi %mul3A_330, %add3A_331 : i32
      %dma_start3A_333 = arith.constant 0 : i32
      %dma_start3A_334 = tpu.memref_slice %arg6[%add3A_332, %dma_start3A_333] : memref<416x128xf32, #tpu.memory_space<vmem>> -> memref<1x128xf32, #tpu.memory_space<vmem>>
      %dma_start3A_335 = tpu.memref_squeeze %dma_start3A_334 : memref<1x128xf32, #tpu.memory_space<vmem>> -> memref<128xf32, #tpu.memory_space<vmem>>
      %dma_start3A_336 = arith.constant 0 : i32
      %dma_start3A_337 = tpu.memref_slice %arg5[%add3A_328, %dma_start3A_336] : memref<416x128xi32, #tpu.memory_space<vmem>> -> memref<1x128xi32, #tpu.memory_space<vmem>>
      %dma_start3A_338 = tpu.memref_squeeze %dma_start3A_337 : memref<1x128xi32, #tpu.memory_space<vmem>> -> memref<128xi32, #tpu.memory_space<vmem>>
      %dma_start3A_339 = arith.constant 0 : i32
      %dma_start3A_340 = tpu.memref_slice %arg2[%dma_start3A_339] : memref<41600000xf32, #tpu.memory_space<hbm>> -> memref<41600000xf32, #tpu.memory_space<hbm>>
      tpu.enqueue_indirect_dma source(%dma_start3A_340 : memref<41600000xf32, #tpu.memory_space<hbm>>) target(%dma_start3A_335 : memref<128xf32, #tpu.memory_space<vmem>>) offsets(%dma_start3A_338 : memref<128xi32, #tpu.memory_space<vmem>>) semaphore(%arg7 : memref<!tpu.dma_semaphore, #tpu.memory_space<semaphore_mem>>)
      %mul3A_341 = arith.constant 16 : i32
      %mul3A_342 = arith.muli %scan3A_165, %mul3A_341 : i32
      %add3A_343 = arith.constant 11 : i32
      %add3A_344 = arith.addi %mul3A_342, %add3A_343 : i32
      %mul3A_345 = arith.constant 16 : i32
      %mul3A_346 = arith.muli %scan3A_165, %mul3A_345 : i32
      %add3A_347 = arith.constant 11 : i32
      %add3A_348 = arith.addi %mul3A_346, %add3A_347 : i32
      %dma_start3A_349 = arith.constant 0 : i32
      %dma_start3A_350 = tpu.memref_slice %arg6[%add3A_348, %dma_start3A_349] : memref<416x128xf32, #tpu.memory_space<vmem>> -> memref<1x128xf32, #tpu.memory_space<vmem>>
      %dma_start3A_351 = tpu.memref_squeeze %dma_start3A_350 : memref<1x128xf32, #tpu.memory_space<vmem>> -> memref<128xf32, #tpu.memory_space<vmem>>
      %dma_start3A_352 = arith.constant 0 : i32
      %dma_start3A_353 = tpu.memref_slice %arg5[%add3A_344, %dma_start3A_352] : memref<416x128xi32, #tpu.memory_space<vmem>> -> memref<1x128xi32, #tpu.memory_space<vmem>>
      %dma_start3A_354 = tpu.memref_squeeze %dma_start3A_353 : memref<1x128xi32, #tpu.memory_space<vmem>> -> memref<128xi32, #tpu.memory_space<vmem>>
      %dma_start3A_355 = arith.constant 0 : i32
      %dma_start3A_356 = tpu.memref_slice %arg2[%dma_start3A_355] : memref<41600000xf32, #tpu.memory_space<hbm>> -> memref<41600000xf32, #tpu.memory_space<hbm>>
      tpu.enqueue_indirect_dma source(%dma_start3A_356 : memref<41600000xf32, #tpu.memory_space<hbm>>) target(%dma_start3A_351 : memref<128xf32, #tpu.memory_space<vmem>>) offsets(%dma_start3A_354 : memref<128xi32, #tpu.memory_space<vmem>>) semaphore(%arg7 : memref<!tpu.dma_semaphore, #tpu.memory_space<semaphore_mem>>)
      %mul3A_357 = arith.constant 16 : i32
      %mul3A_358 = arith.muli %scan3A_165, %mul3A_357 : i32
      %add3A_359 = arith.constant 12 : i32
      %add3A_360 = arith.addi %mul3A_358, %add3A_359 : i32
      %mul3A_361 = arith.constant 16 : i32
      %mul3A_362 = arith.muli %scan3A_165, %mul3A_361 : i32
      %add3A_363 = arith.constant 12 : i32
      %add3A_364 = arith.addi %mul3A_362, %add3A_363 : i32
      %dma_start3A_365 = arith.constant 0 : i32
      %dma_start3A_366 = tpu.memref_slice %arg6[%add3A_364, %dma_start3A_365] : memref<416x128xf32, #tpu.memory_space<vmem>> -> memref<1x128xf32, #tpu.memory_space<vmem>>
      %dma_start3A_367 = tpu.memref_squeeze %dma_start3A_366 : memref<1x128xf32, #tpu.memory_space<vmem>> -> memref<128xf32, #tpu.memory_space<vmem>>
      %dma_start3A_368 = arith.constant 0 : i32
      %dma_start3A_369 = tpu.memref_slice %arg5[%add3A_360, %dma_start3A_368] : memref<416x128xi32, #tpu.memory_space<vmem>> -> memref<1x128xi32, #tpu.memory_space<vmem>>
      %dma_start3A_370 = tpu.memref_squeeze %dma_start3A_369 : memref<1x128xi32, #tpu.memory_space<vmem>> -> memref<128xi32, #tpu.memory_space<vmem>>
      %dma_start3A_371 = arith.constant 0 : i32
      %dma_start3A_372 = tpu.memref_slice %arg2[%dma_start3A_371] : memref<41600000xf32, #tpu.memory_space<hbm>> -> memref<41600000xf32, #tpu.memory_space<hbm>>
      tpu.enqueue_indirect_dma source(%dma_start3A_372 : memref<41600000xf32, #tpu.memory_space<hbm>>) target(%dma_start3A_367 : memref<128xf32, #tpu.memory_space<vmem>>) offsets(%dma_start3A_370 : memref<128xi32, #tpu.memory_space<vmem>>) semaphore(%arg7 : memref<!tpu.dma_semaphore, #tpu.memory_space<semaphore_mem>>)
      %mul3A_373 = arith.constant 16 : i32
      %mul3A_374 = arith.muli %scan3A_165, %mul3A_373 : i32
      %add3A_375 = arith.constant 13 : i32
      %add3A_376 = arith.addi %mul3A_374, %add3A_375 : i32
      %mul3A_377 = arith.constant 16 : i32
      %mul3A_378 = arith.muli %scan3A_165, %mul3A_377 : i32
      %add3A_379 = arith.constant 13 : i32
      %add3A_380 = arith.addi %mul3A_378, %add3A_379 : i32
      %dma_start3A_381 = arith.constant 0 : i32
      %dma_start3A_382 = tpu.memref_slice %arg6[%add3A_380, %dma_start3A_381] : memref<416x128xf32, #tpu.memory_space<vmem>> -> memref<1x128xf32, #tpu.memory_space<vmem>>
      %dma_start3A_383 = tpu.memref_squeeze %dma_start3A_382 : memref<1x128xf32, #tpu.memory_space<vmem>> -> memref<128xf32, #tpu.memory_space<vmem>>
      %dma_start3A_384 = arith.constant 0 : i32
      %dma_start3A_385 = tpu.memref_slice %arg5[%add3A_376, %dma_start3A_384] : memref<416x128xi32, #tpu.memory_space<vmem>> -> memref<1x128xi32, #tpu.memory_space<vmem>>
      %dma_start3A_386 = tpu.memref_squeeze %dma_start3A_385 : memref<1x128xi32, #tpu.memory_space<vmem>> -> memref<128xi32, #tpu.memory_space<vmem>>
      %dma_start3A_387 = arith.constant 0 : i32
      %dma_start3A_388 = tpu.memref_slice %arg2[%dma_start3A_387] : memref<41600000xf32, #tpu.memory_space<hbm>> -> memref<41600000xf32, #tpu.memory_space<hbm>>
      tpu.enqueue_indirect_dma source(%dma_start3A_388 : memref<41600000xf32, #tpu.memory_space<hbm>>) target(%dma_start3A_383 : memref<128xf32, #tpu.memory_space<vmem>>) offsets(%dma_start3A_386 : memref<128xi32, #tpu.memory_space<vmem>>) semaphore(%arg7 : memref<!tpu.dma_semaphore, #tpu.memory_space<semaphore_mem>>)
      %mul3A_389 = arith.constant 16 : i32
      %mul3A_390 = arith.muli %scan3A_165, %mul3A_389 : i32
      %add3A_391 = arith.constant 14 : i32
      %add3A_392 = arith.addi %mul3A_390, %add3A_391 : i32
      %mul3A_393 = arith.constant 16 : i32
      %mul3A_394 = arith.muli %scan3A_165, %mul3A_393 : i32
      %add3A_395 = arith.constant 14 : i32
      %add3A_396 = arith.addi %mul3A_394, %add3A_395 : i32
      %dma_start3A_397 = arith.constant 0 : i32
      %dma_start3A_398 = tpu.memref_slice %arg6[%add3A_396, %dma_start3A_397] : memref<416x128xf32, #tpu.memory_space<vmem>> -> memref<1x128xf32, #tpu.memory_space<vmem>>
      %dma_start3A_399 = tpu.memref_squeeze %dma_start3A_398 : memref<1x128xf32, #tpu.memory_space<vmem>> -> memref<128xf32, #tpu.memory_space<vmem>>
      %dma_start3A_400 = arith.constant 0 : i32
      %dma_start3A_401 = tpu.memref_slice %arg5[%add3A_392, %dma_start3A_400] : memref<416x128xi32, #tpu.memory_space<vmem>> -> memref<1x128xi32, #tpu.memory_space<vmem>>
      %dma_start3A_402 = tpu.memref_squeeze %dma_start3A_401 : memref<1x128xi32, #tpu.memory_space<vmem>> -> memref<128xi32, #tpu.memory_space<vmem>>
      %dma_start3A_403 = arith.constant 0 : i32
      %dma_start3A_404 = tpu.memref_slice %arg2[%dma_start3A_403] : memref<41600000xf32, #tpu.memory_space<hbm>> -> memref<41600000xf32, #tpu.memory_space<hbm>>
      tpu.enqueue_indirect_dma source(%dma_start3A_404 : memref<41600000xf32, #tpu.memory_space<hbm>>) target(%dma_start3A_399 : memref<128xf32, #tpu.memory_space<vmem>>) offsets(%dma_start3A_402 : memref<128xi32, #tpu.memory_space<vmem>>) semaphore(%arg7 : memref<!tpu.dma_semaphore, #tpu.memory_space<semaphore_mem>>)
      %mul3A_405 = arith.constant 16 : i32
      %mul3A_406 = arith.muli %scan3A_165, %mul3A_405 : i32
      %add3A_407 = arith.constant 15 : i32
      %add3A_408 = arith.addi %mul3A_406, %add3A_407 : i32
      %mul3A_409 = arith.constant 16 : i32
      %mul3A_410 = arith.muli %scan3A_165, %mul3A_409 : i32
      %add3A_411 = arith.constant 15 : i32
      %add3A_412 = arith.addi %mul3A_410, %add3A_411 : i32
      %dma_start3A_413 = arith.constant 0 : i32
      %dma_start3A_414 = tpu.memref_slice %arg6[%add3A_412, %dma_start3A_413] : memref<416x128xf32, #tpu.memory_space<vmem>> -> memref<1x128xf32, #tpu.memory_space<vmem>>
      %dma_start3A_415 = tpu.memref_squeeze %dma_start3A_414 : memref<1x128xf32, #tpu.memory_space<vmem>> -> memref<128xf32, #tpu.memory_space<vmem>>
      %dma_start3A_416 = arith.constant 0 : i32
      %dma_start3A_417 = tpu.memref_slice %arg5[%add3A_408, %dma_start3A_416] : memref<416x128xi32, #tpu.memory_space<vmem>> -> memref<1x128xi32, #tpu.memory_space<vmem>>
      %dma_start3A_418 = tpu.memref_squeeze %dma_start3A_417 : memref<1x128xi32, #tpu.memory_space<vmem>> -> memref<128xi32, #tpu.memory_space<vmem>>
      %dma_start3A_419 = arith.constant 0 : i32
      %dma_start3A_420 = tpu.memref_slice %arg2[%dma_start3A_419] : memref<41600000xf32, #tpu.memory_space<hbm>> -> memref<41600000xf32, #tpu.memory_space<hbm>>
      tpu.enqueue_indirect_dma source(%dma_start3A_420 : memref<41600000xf32, #tpu.memory_space<hbm>>) target(%dma_start3A_415 : memref<128xf32, #tpu.memory_space<vmem>>) offsets(%dma_start3A_418 : memref<128xi32, #tpu.memory_space<vmem>>) semaphore(%arg7 : memref<!tpu.dma_semaphore, #tpu.memory_space<semaphore_mem>>)
      %gt3A = arith.constant 0 : i32
      %gt3A_421 = arith.cmpi sgt, %scan3A_165, %gt3A : i32
      %convert_element_type3A = arith.extui %gt3A_421 : i1 to i32
      %cond3A = arith.constant 0 : i32
      %cond3A_422 = arith.cmpi ne, %convert_element_type3A, %cond3A : i32
      scf.if %cond3A_422 {
        %sub3A = arith.constant 1 : i32
        %sub3A_423 = arith.subi %scan3A_165, %sub3A : i32
        %mul3A_424 = arith.constant 16 : i32
        %mul3A_425 = arith.muli %sub3A_423, %mul3A_424 : i32
        %add3A_426 = arith.constant 0 : i32
        %add3A_427 = arith.addi %mul3A_425, %add3A_426 : i32
        %sub3A_428 = arith.constant 1 : i32
        %sub3A_429 = arith.subi %scan3A_165, %sub3A_428 : i32
        %mul3A_430 = arith.constant 16 : i32
        %mul3A_431 = arith.muli %sub3A_429, %mul3A_430 : i32
        %add3A_432 = arith.constant 0 : i32
        %add3A_433 = arith.addi %mul3A_431, %add3A_432 : i32
        %dma_wait3A_434 = arith.constant 0 : i32
        %dma_wait3A_435 = tpu.memref_slice %arg6[%add3A_433, %dma_wait3A_434] : memref<416x128xf32, #tpu.memory_space<vmem>> -> memref<1x128xf32, #tpu.memory_space<vmem>>
        %dma_wait3A_436 = tpu.memref_squeeze %dma_wait3A_435 : memref<1x128xf32, #tpu.memory_space<vmem>> -> memref<128xf32, #tpu.memory_space<vmem>>
        %dma_wait3A_437 = arith.constant 0 : i32
        %dma_wait3A_438 = tpu.memref_slice %arg5[%add3A_427, %dma_wait3A_437] : memref<416x128xi32, #tpu.memory_space<vmem>> -> memref<1x128xi32, #tpu.memory_space<vmem>>
        %dma_wait3A_439 = tpu.memref_squeeze %dma_wait3A_438 : memref<1x128xi32, #tpu.memory_space<vmem>> -> memref<128xi32, #tpu.memory_space<vmem>>
        %dma_wait3A_440 = arith.constant 0 : i32
        %dma_wait3A_441 = tpu.memref_slice %arg2[%dma_wait3A_440] : memref<41600000xf32, #tpu.memory_space<hbm>> -> memref<41600000xf32, #tpu.memory_space<hbm>>
        tpu.wait_indirect_dma semaphore(%arg7 : memref<!tpu.dma_semaphore, #tpu.memory_space<semaphore_mem>>) src(%dma_wait3A_441 : memref<41600000xf32, #tpu.memory_space<hbm>>) dst(%dma_wait3A_436 : memref<128xf32, #tpu.memory_space<vmem>>)
        %sub3A_442 = arith.constant 1 : i32
        %sub3A_443 = arith.subi %scan3A_165, %sub3A_442 : i32
        %mul3A_444 = arith.constant 16 : i32
        %mul3A_445 = arith.muli %sub3A_443, %mul3A_444 : i32
        %add3A_446 = arith.constant 1 : i32
        %add3A_447 = arith.addi %mul3A_445, %add3A_446 : i32
        %sub3A_448 = arith.constant 1 : i32
        %sub3A_449 = arith.subi %scan3A_165, %sub3A_448 : i32
        %mul3A_450 = arith.constant 16 : i32
        %mul3A_451 = arith.muli %sub3A_449, %mul3A_450 : i32
        %add3A_452 = arith.constant 1 : i32
        %add3A_453 = arith.addi %mul3A_451, %add3A_452 : i32
        %dma_wait3A_454 = arith.constant 0 : i32
        %dma_wait3A_455 = tpu.memref_slice %arg6[%add3A_453, %dma_wait3A_454] : memref<416x128xf32, #tpu.memory_space<vmem>> -> memref<1x128xf32, #tpu.memory_space<vmem>>
        %dma_wait3A_456 = tpu.memref_squeeze %dma_wait3A_455 : memref<1x128xf32, #tpu.memory_space<vmem>> -> memref<128xf32, #tpu.memory_space<vmem>>
        %dma_wait3A_457 = arith.constant 0 : i32
        %dma_wait3A_458 = tpu.memref_slice %arg5[%add3A_447, %dma_wait3A_457] : memref<416x128xi32, #tpu.memory_space<vmem>> -> memref<1x128xi32, #tpu.memory_space<vmem>>
        %dma_wait3A_459 = tpu.memref_squeeze %dma_wait3A_458 : memref<1x128xi32, #tpu.memory_space<vmem>> -> memref<128xi32, #tpu.memory_space<vmem>>
        %dma_wait3A_460 = arith.constant 0 : i32
        %dma_wait3A_461 = tpu.memref_slice %arg2[%dma_wait3A_460] : memref<41600000xf32, #tpu.memory_space<hbm>> -> memref<41600000xf32, #tpu.memory_space<hbm>>
        tpu.wait_indirect_dma semaphore(%arg7 : memref<!tpu.dma_semaphore, #tpu.memory_space<semaphore_mem>>) src(%dma_wait3A_461 : memref<41600000xf32, #tpu.memory_space<hbm>>) dst(%dma_wait3A_456 : memref<128xf32, #tpu.memory_space<vmem>>)
        %sub3A_462 = arith.constant 1 : i32
        %sub3A_463 = arith.subi %scan3A_165, %sub3A_462 : i32
        %mul3A_464 = arith.constant 16 : i32
        %mul3A_465 = arith.muli %sub3A_463, %mul3A_464 : i32
        %add3A_466 = arith.constant 2 : i32
        %add3A_467 = arith.addi %mul3A_465, %add3A_466 : i32
        %sub3A_468 = arith.constant 1 : i32
        %sub3A_469 = arith.subi %scan3A_165, %sub3A_468 : i32
        %mul3A_470 = arith.constant 16 : i32
        %mul3A_471 = arith.muli %sub3A_469, %mul3A_470 : i32
        %add3A_472 = arith.constant 2 : i32
        %add3A_473 = arith.addi %mul3A_471, %add3A_472 : i32
        %dma_wait3A_474 = arith.constant 0 : i32
        %dma_wait3A_475 = tpu.memref_slice %arg6[%add3A_473, %dma_wait3A_474] : memref<416x128xf32, #tpu.memory_space<vmem>> -> memref<1x128xf32, #tpu.memory_space<vmem>>
        %dma_wait3A_476 = tpu.memref_squeeze %dma_wait3A_475 : memref<1x128xf32, #tpu.memory_space<vmem>> -> memref<128xf32, #tpu.memory_space<vmem>>
        %dma_wait3A_477 = arith.constant 0 : i32
        %dma_wait3A_478 = tpu.memref_slice %arg5[%add3A_467, %dma_wait3A_477] : memref<416x128xi32, #tpu.memory_space<vmem>> -> memref<1x128xi32, #tpu.memory_space<vmem>>
        %dma_wait3A_479 = tpu.memref_squeeze %dma_wait3A_478 : memref<1x128xi32, #tpu.memory_space<vmem>> -> memref<128xi32, #tpu.memory_space<vmem>>
        %dma_wait3A_480 = arith.constant 0 : i32
        %dma_wait3A_481 = tpu.memref_slice %arg2[%dma_wait3A_480] : memref<41600000xf32, #tpu.memory_space<hbm>> -> memref<41600000xf32, #tpu.memory_space<hbm>>
        tpu.wait_indirect_dma semaphore(%arg7 : memref<!tpu.dma_semaphore, #tpu.memory_space<semaphore_mem>>) src(%dma_wait3A_481 : memref<41600000xf32, #tpu.memory_space<hbm>>) dst(%dma_wait3A_476 : memref<128xf32, #tpu.memory_space<vmem>>)
        %sub3A_482 = arith.constant 1 : i32
        %sub3A_483 = arith.subi %scan3A_165, %sub3A_482 : i32
        %mul3A_484 = arith.constant 16 : i32
        %mul3A_485 = arith.muli %sub3A_483, %mul3A_484 : i32
        %add3A_486 = arith.constant 3 : i32
        %add3A_487 = arith.addi %mul3A_485, %add3A_486 : i32
        %sub3A_488 = arith.constant 1 : i32
        %sub3A_489 = arith.subi %scan3A_165, %sub3A_488 : i32
        %mul3A_490 = arith.constant 16 : i32
        %mul3A_491 = arith.muli %sub3A_489, %mul3A_490 : i32
        %add3A_492 = arith.constant 3 : i32
        %add3A_493 = arith.addi %mul3A_491, %add3A_492 : i32
        %dma_wait3A_494 = arith.constant 0 : i32
        %dma_wait3A_495 = tpu.memref_slice %arg6[%add3A_493, %dma_wait3A_494] : memref<416x128xf32, #tpu.memory_space<vmem>> -> memref<1x128xf32, #tpu.memory_space<vmem>>
        %dma_wait3A_496 = tpu.memref_squeeze %dma_wait3A_495 : memref<1x128xf32, #tpu.memory_space<vmem>> -> memref<128xf32, #tpu.memory_space<vmem>>
        %dma_wait3A_497 = arith.constant 0 : i32
        %dma_wait3A_498 = tpu.memref_slice %arg5[%add3A_487, %dma_wait3A_497] : memref<416x128xi32, #tpu.memory_space<vmem>> -> memref<1x128xi32, #tpu.memory_space<vmem>>
        %dma_wait3A_499 = tpu.memref_squeeze %dma_wait3A_498 : memref<1x128xi32, #tpu.memory_space<vmem>> -> memref<128xi32, #tpu.memory_space<vmem>>
        %dma_wait3A_500 = arith.constant 0 : i32
        %dma_wait3A_501 = tpu.memref_slice %arg2[%dma_wait3A_500] : memref<41600000xf32, #tpu.memory_space<hbm>> -> memref<41600000xf32, #tpu.memory_space<hbm>>
        tpu.wait_indirect_dma semaphore(%arg7 : memref<!tpu.dma_semaphore, #tpu.memory_space<semaphore_mem>>) src(%dma_wait3A_501 : memref<41600000xf32, #tpu.memory_space<hbm>>) dst(%dma_wait3A_496 : memref<128xf32, #tpu.memory_space<vmem>>)
        %sub3A_502 = arith.constant 1 : i32
        %sub3A_503 = arith.subi %scan3A_165, %sub3A_502 : i32
        %mul3A_504 = arith.constant 16 : i32
        %mul3A_505 = arith.muli %sub3A_503, %mul3A_504 : i32
        %add3A_506 = arith.constant 4 : i32
        %add3A_507 = arith.addi %mul3A_505, %add3A_506 : i32
        %sub3A_508 = arith.constant 1 : i32
        %sub3A_509 = arith.subi %scan3A_165, %sub3A_508 : i32
        %mul3A_510 = arith.constant 16 : i32
        %mul3A_511 = arith.muli %sub3A_509, %mul3A_510 : i32
        %add3A_512 = arith.constant 4 : i32
        %add3A_513 = arith.addi %mul3A_511, %add3A_512 : i32
        %dma_wait3A_514 = arith.constant 0 : i32
        %dma_wait3A_515 = tpu.memref_slice %arg6[%add3A_513, %dma_wait3A_514] : memref<416x128xf32, #tpu.memory_space<vmem>> -> memref<1x128xf32, #tpu.memory_space<vmem>>
        %dma_wait3A_516 = tpu.memref_squeeze %dma_wait3A_515 : memref<1x128xf32, #tpu.memory_space<vmem>> -> memref<128xf32, #tpu.memory_space<vmem>>
        %dma_wait3A_517 = arith.constant 0 : i32
        %dma_wait3A_518 = tpu.memref_slice %arg5[%add3A_507, %dma_wait3A_517] : memref<416x128xi32, #tpu.memory_space<vmem>> -> memref<1x128xi32, #tpu.memory_space<vmem>>
        %dma_wait3A_519 = tpu.memref_squeeze %dma_wait3A_518 : memref<1x128xi32, #tpu.memory_space<vmem>> -> memref<128xi32, #tpu.memory_space<vmem>>
        %dma_wait3A_520 = arith.constant 0 : i32
        %dma_wait3A_521 = tpu.memref_slice %arg2[%dma_wait3A_520] : memref<41600000xf32, #tpu.memory_space<hbm>> -> memref<41600000xf32, #tpu.memory_space<hbm>>
        tpu.wait_indirect_dma semaphore(%arg7 : memref<!tpu.dma_semaphore, #tpu.memory_space<semaphore_mem>>) src(%dma_wait3A_521 : memref<41600000xf32, #tpu.memory_space<hbm>>) dst(%dma_wait3A_516 : memref<128xf32, #tpu.memory_space<vmem>>)
        %sub3A_522 = arith.constant 1 : i32
        %sub3A_523 = arith.subi %scan3A_165, %sub3A_522 : i32
        %mul3A_524 = arith.constant 16 : i32
        %mul3A_525 = arith.muli %sub3A_523, %mul3A_524 : i32
        %add3A_526 = arith.constant 5 : i32
        %add3A_527 = arith.addi %mul3A_525, %add3A_526 : i32
        %sub3A_528 = arith.constant 1 : i32
        %sub3A_529 = arith.subi %scan3A_165, %sub3A_528 : i32
        %mul3A_530 = arith.constant 16 : i32
        %mul3A_531 = arith.muli %sub3A_529, %mul3A_530 : i32
        %add3A_532 = arith.constant 5 : i32
        %add3A_533 = arith.addi %mul3A_531, %add3A_532 : i32
        %dma_wait3A_534 = arith.constant 0 : i32
        %dma_wait3A_535 = tpu.memref_slice %arg6[%add3A_533, %dma_wait3A_534] : memref<416x128xf32, #tpu.memory_space<vmem>> -> memref<1x128xf32, #tpu.memory_space<vmem>>
        %dma_wait3A_536 = tpu.memref_squeeze %dma_wait3A_535 : memref<1x128xf32, #tpu.memory_space<vmem>> -> memref<128xf32, #tpu.memory_space<vmem>>
        %dma_wait3A_537 = arith.constant 0 : i32
        %dma_wait3A_538 = tpu.memref_slice %arg5[%add3A_527, %dma_wait3A_537] : memref<416x128xi32, #tpu.memory_space<vmem>> -> memref<1x128xi32, #tpu.memory_space<vmem>>
        %dma_wait3A_539 = tpu.memref_squeeze %dma_wait3A_538 : memref<1x128xi32, #tpu.memory_space<vmem>> -> memref<128xi32, #tpu.memory_space<vmem>>
        %dma_wait3A_540 = arith.constant 0 : i32
        %dma_wait3A_541 = tpu.memref_slice %arg2[%dma_wait3A_540] : memref<41600000xf32, #tpu.memory_space<hbm>> -> memref<41600000xf32, #tpu.memory_space<hbm>>
        tpu.wait_indirect_dma semaphore(%arg7 : memref<!tpu.dma_semaphore, #tpu.memory_space<semaphore_mem>>) src(%dma_wait3A_541 : memref<41600000xf32, #tpu.memory_space<hbm>>) dst(%dma_wait3A_536 : memref<128xf32, #tpu.memory_space<vmem>>)
        %sub3A_542 = arith.constant 1 : i32
        %sub3A_543 = arith.subi %scan3A_165, %sub3A_542 : i32
        %mul3A_544 = arith.constant 16 : i32
        %mul3A_545 = arith.muli %sub3A_543, %mul3A_544 : i32
        %add3A_546 = arith.constant 6 : i32
        %add3A_547 = arith.addi %mul3A_545, %add3A_546 : i32
        %sub3A_548 = arith.constant 1 : i32
        %sub3A_549 = arith.subi %scan3A_165, %sub3A_548 : i32
        %mul3A_550 = arith.constant 16 : i32
        %mul3A_551 = arith.muli %sub3A_549, %mul3A_550 : i32
        %add3A_552 = arith.constant 6 : i32
        %add3A_553 = arith.addi %mul3A_551, %add3A_552 : i32
        %dma_wait3A_554 = arith.constant 0 : i32
        %dma_wait3A_555 = tpu.memref_slice %arg6[%add3A_553, %dma_wait3A_554] : memref<416x128xf32, #tpu.memory_space<vmem>> -> memref<1x128xf32, #tpu.memory_space<vmem>>
        %dma_wait3A_556 = tpu.memref_squeeze %dma_wait3A_555 : memref<1x128xf32, #tpu.memory_space<vmem>> -> memref<128xf32, #tpu.memory_space<vmem>>
        %dma_wait3A_557 = arith.constant 0 : i32
        %dma_wait3A_558 = tpu.memref_slice %arg5[%add3A_547, %dma_wait3A_557] : memref<416x128xi32, #tpu.memory_space<vmem>> -> memref<1x128xi32, #tpu.memory_space<vmem>>
        %dma_wait3A_559 = tpu.memref_squeeze %dma_wait3A_558 : memref<1x128xi32, #tpu.memory_space<vmem>> -> memref<128xi32, #tpu.memory_space<vmem>>
        %dma_wait3A_560 = arith.constant 0 : i32
        %dma_wait3A_561 = tpu.memref_slice %arg2[%dma_wait3A_560] : memref<41600000xf32, #tpu.memory_space<hbm>> -> memref<41600000xf32, #tpu.memory_space<hbm>>
        tpu.wait_indirect_dma semaphore(%arg7 : memref<!tpu.dma_semaphore, #tpu.memory_space<semaphore_mem>>) src(%dma_wait3A_561 : memref<41600000xf32, #tpu.memory_space<hbm>>) dst(%dma_wait3A_556 : memref<128xf32, #tpu.memory_space<vmem>>)
        %sub3A_562 = arith.constant 1 : i32
        %sub3A_563 = arith.subi %scan3A_165, %sub3A_562 : i32
        %mul3A_564 = arith.constant 16 : i32
        %mul3A_565 = arith.muli %sub3A_563, %mul3A_564 : i32
        %add3A_566 = arith.constant 7 : i32
        %add3A_567 = arith.addi %mul3A_565, %add3A_566 : i32
        %sub3A_568 = arith.constant 1 : i32
        %sub3A_569 = arith.subi %scan3A_165, %sub3A_568 : i32
        %mul3A_570 = arith.constant 16 : i32
        %mul3A_571 = arith.muli %sub3A_569, %mul3A_570 : i32
        %add3A_572 = arith.constant 7 : i32
        %add3A_573 = arith.addi %mul3A_571, %add3A_572 : i32
        %dma_wait3A_574 = arith.constant 0 : i32
        %dma_wait3A_575 = tpu.memref_slice %arg6[%add3A_573, %dma_wait3A_574] : memref<416x128xf32, #tpu.memory_space<vmem>> -> memref<1x128xf32, #tpu.memory_space<vmem>>
        %dma_wait3A_576 = tpu.memref_squeeze %dma_wait3A_575 : memref<1x128xf32, #tpu.memory_space<vmem>> -> memref<128xf32, #tpu.memory_space<vmem>>
        %dma_wait3A_577 = arith.constant 0 : i32
        %dma_wait3A_578 = tpu.memref_slice %arg5[%add3A_567, %dma_wait3A_577] : memref<416x128xi32, #tpu.memory_space<vmem>> -> memref<1x128xi32, #tpu.memory_space<vmem>>
        %dma_wait3A_579 = tpu.memref_squeeze %dma_wait3A_578 : memref<1x128xi32, #tpu.memory_space<vmem>> -> memref<128xi32, #tpu.memory_space<vmem>>
        %dma_wait3A_580 = arith.constant 0 : i32
        %dma_wait3A_581 = tpu.memref_slice %arg2[%dma_wait3A_580] : memref<41600000xf32, #tpu.memory_space<hbm>> -> memref<41600000xf32, #tpu.memory_space<hbm>>
        tpu.wait_indirect_dma semaphore(%arg7 : memref<!tpu.dma_semaphore, #tpu.memory_space<semaphore_mem>>) src(%dma_wait3A_581 : memref<41600000xf32, #tpu.memory_space<hbm>>) dst(%dma_wait3A_576 : memref<128xf32, #tpu.memory_space<vmem>>)
        %sub3A_582 = arith.constant 1 : i32
        %sub3A_583 = arith.subi %scan3A_165, %sub3A_582 : i32
        %mul3A_584 = arith.constant 16 : i32
        %mul3A_585 = arith.muli %sub3A_583, %mul3A_584 : i32
        %add3A_586 = arith.constant 8 : i32
        %add3A_587 = arith.addi %mul3A_585, %add3A_586 : i32
        %sub3A_588 = arith.constant 1 : i32
        %sub3A_589 = arith.subi %scan3A_165, %sub3A_588 : i32
        %mul3A_590 = arith.constant 16 : i32
        %mul3A_591 = arith.muli %sub3A_589, %mul3A_590 : i32
        %add3A_592 = arith.constant 8 : i32
        %add3A_593 = arith.addi %mul3A_591, %add3A_592 : i32
        %dma_wait3A_594 = arith.constant 0 : i32
        %dma_wait3A_595 = tpu.memref_slice %arg6[%add3A_593, %dma_wait3A_594] : memref<416x128xf32, #tpu.memory_space<vmem>> -> memref<1x128xf32, #tpu.memory_space<vmem>>
        %dma_wait3A_596 = tpu.memref_squeeze %dma_wait3A_595 : memref<1x128xf32, #tpu.memory_space<vmem>> -> memref<128xf32, #tpu.memory_space<vmem>>
        %dma_wait3A_597 = arith.constant 0 : i32
        %dma_wait3A_598 = tpu.memref_slice %arg5[%add3A_587, %dma_wait3A_597] : memref<416x128xi32, #tpu.memory_space<vmem>> -> memref<1x128xi32, #tpu.memory_space<vmem>>
        %dma_wait3A_599 = tpu.memref_squeeze %dma_wait3A_598 : memref<1x128xi32, #tpu.memory_space<vmem>> -> memref<128xi32, #tpu.memory_space<vmem>>
        %dma_wait3A_600 = arith.constant 0 : i32
        %dma_wait3A_601 = tpu.memref_slice %arg2[%dma_wait3A_600] : memref<41600000xf32, #tpu.memory_space<hbm>> -> memref<41600000xf32, #tpu.memory_space<hbm>>
        tpu.wait_indirect_dma semaphore(%arg7 : memref<!tpu.dma_semaphore, #tpu.memory_space<semaphore_mem>>) src(%dma_wait3A_601 : memref<41600000xf32, #tpu.memory_space<hbm>>) dst(%dma_wait3A_596 : memref<128xf32, #tpu.memory_space<vmem>>)
        %sub3A_602 = arith.constant 1 : i32
        %sub3A_603 = arith.subi %scan3A_165, %sub3A_602 : i32
        %mul3A_604 = arith.constant 16 : i32
        %mul3A_605 = arith.muli %sub3A_603, %mul3A_604 : i32
        %add3A_606 = arith.constant 9 : i32
        %add3A_607 = arith.addi %mul3A_605, %add3A_606 : i32
        %sub3A_608 = arith.constant 1 : i32
        %sub3A_609 = arith.subi %scan3A_165, %sub3A_608 : i32
        %mul3A_610 = arith.constant 16 : i32
        %mul3A_611 = arith.muli %sub3A_609, %mul3A_610 : i32
        %add3A_612 = arith.constant 9 : i32
        %add3A_613 = arith.addi %mul3A_611, %add3A_612 : i32
        %dma_wait3A_614 = arith.constant 0 : i32
        %dma_wait3A_615 = tpu.memref_slice %arg6[%add3A_613, %dma_wait3A_614] : memref<416x128xf32, #tpu.memory_space<vmem>> -> memref<1x128xf32, #tpu.memory_space<vmem>>
        %dma_wait3A_616 = tpu.memref_squeeze %dma_wait3A_615 : memref<1x128xf32, #tpu.memory_space<vmem>> -> memref<128xf32, #tpu.memory_space<vmem>>
        %dma_wait3A_617 = arith.constant 0 : i32
        %dma_wait3A_618 = tpu.memref_slice %arg5[%add3A_607, %dma_wait3A_617] : memref<416x128xi32, #tpu.memory_space<vmem>> -> memref<1x128xi32, #tpu.memory_space<vmem>>
        %dma_wait3A_619 = tpu.memref_squeeze %dma_wait3A_618 : memref<1x128xi32, #tpu.memory_space<vmem>> -> memref<128xi32, #tpu.memory_space<vmem>>
        %dma_wait3A_620 = arith.constant 0 : i32
        %dma_wait3A_621 = tpu.memref_slice %arg2[%dma_wait3A_620] : memref<41600000xf32, #tpu.memory_space<hbm>> -> memref<41600000xf32, #tpu.memory_space<hbm>>
        tpu.wait_indirect_dma semaphore(%arg7 : memref<!tpu.dma_semaphore, #tpu.memory_space<semaphore_mem>>) src(%dma_wait3A_621 : memref<41600000xf32, #tpu.memory_space<hbm>>) dst(%dma_wait3A_616 : memref<128xf32, #tpu.memory_space<vmem>>)
        %sub3A_622 = arith.constant 1 : i32
        %sub3A_623 = arith.subi %scan3A_165, %sub3A_622 : i32
        %mul3A_624 = arith.constant 16 : i32
        %mul3A_625 = arith.muli %sub3A_623, %mul3A_624 : i32
        %add3A_626 = arith.constant 10 : i32
        %add3A_627 = arith.addi %mul3A_625, %add3A_626 : i32
        %sub3A_628 = arith.constant 1 : i32
        %sub3A_629 = arith.subi %scan3A_165, %sub3A_628 : i32
        %mul3A_630 = arith.constant 16 : i32
        %mul3A_631 = arith.muli %sub3A_629, %mul3A_630 : i32
        %add3A_632 = arith.constant 10 : i32
        %add3A_633 = arith.addi %mul3A_631, %add3A_632 : i32
        %dma_wait3A_634 = arith.constant 0 : i32
        %dma_wait3A_635 = tpu.memref_slice %arg6[%add3A_633, %dma_wait3A_634] : memref<416x128xf32, #tpu.memory_space<vmem>> -> memref<1x128xf32, #tpu.memory_space<vmem>>
        %dma_wait3A_636 = tpu.memref_squeeze %dma_wait3A_635 : memref<1x128xf32, #tpu.memory_space<vmem>> -> memref<128xf32, #tpu.memory_space<vmem>>
        %dma_wait3A_637 = arith.constant 0 : i32
        %dma_wait3A_638 = tpu.memref_slice %arg5[%add3A_627, %dma_wait3A_637] : memref<416x128xi32, #tpu.memory_space<vmem>> -> memref<1x128xi32, #tpu.memory_space<vmem>>
        %dma_wait3A_639 = tpu.memref_squeeze %dma_wait3A_638 : memref<1x128xi32, #tpu.memory_space<vmem>> -> memref<128xi32, #tpu.memory_space<vmem>>
        %dma_wait3A_640 = arith.constant 0 : i32
        %dma_wait3A_641 = tpu.memref_slice %arg2[%dma_wait3A_640] : memref<41600000xf32, #tpu.memory_space<hbm>> -> memref<41600000xf32, #tpu.memory_space<hbm>>
        tpu.wait_indirect_dma semaphore(%arg7 : memref<!tpu.dma_semaphore, #tpu.memory_space<semaphore_mem>>) src(%dma_wait3A_641 : memref<41600000xf32, #tpu.memory_space<hbm>>) dst(%dma_wait3A_636 : memref<128xf32, #tpu.memory_space<vmem>>)
        %sub3A_642 = arith.constant 1 : i32
        %sub3A_643 = arith.subi %scan3A_165, %sub3A_642 : i32
        %mul3A_644 = arith.constant 16 : i32
        %mul3A_645 = arith.muli %sub3A_643, %mul3A_644 : i32
        %add3A_646 = arith.constant 11 : i32
        %add3A_647 = arith.addi %mul3A_645, %add3A_646 : i32
        %sub3A_648 = arith.constant 1 : i32
        %sub3A_649 = arith.subi %scan3A_165, %sub3A_648 : i32
        %mul3A_650 = arith.constant 16 : i32
        %mul3A_651 = arith.muli %sub3A_649, %mul3A_650 : i32
        %add3A_652 = arith.constant 11 : i32
        %add3A_653 = arith.addi %mul3A_651, %add3A_652 : i32
        %dma_wait3A_654 = arith.constant 0 : i32
        %dma_wait3A_655 = tpu.memref_slice %arg6[%add3A_653, %dma_wait3A_654] : memref<416x128xf32, #tpu.memory_space<vmem>> -> memref<1x128xf32, #tpu.memory_space<vmem>>
        %dma_wait3A_656 = tpu.memref_squeeze %dma_wait3A_655 : memref<1x128xf32, #tpu.memory_space<vmem>> -> memref<128xf32, #tpu.memory_space<vmem>>
        %dma_wait3A_657 = arith.constant 0 : i32
        %dma_wait3A_658 = tpu.memref_slice %arg5[%add3A_647, %dma_wait3A_657] : memref<416x128xi32, #tpu.memory_space<vmem>> -> memref<1x128xi32, #tpu.memory_space<vmem>>
        %dma_wait3A_659 = tpu.memref_squeeze %dma_wait3A_658 : memref<1x128xi32, #tpu.memory_space<vmem>> -> memref<128xi32, #tpu.memory_space<vmem>>
        %dma_wait3A_660 = arith.constant 0 : i32
        %dma_wait3A_661 = tpu.memref_slice %arg2[%dma_wait3A_660] : memref<41600000xf32, #tpu.memory_space<hbm>> -> memref<41600000xf32, #tpu.memory_space<hbm>>
        tpu.wait_indirect_dma semaphore(%arg7 : memref<!tpu.dma_semaphore, #tpu.memory_space<semaphore_mem>>) src(%dma_wait3A_661 : memref<41600000xf32, #tpu.memory_space<hbm>>) dst(%dma_wait3A_656 : memref<128xf32, #tpu.memory_space<vmem>>)
        %sub3A_662 = arith.constant 1 : i32
        %sub3A_663 = arith.subi %scan3A_165, %sub3A_662 : i32
        %mul3A_664 = arith.constant 16 : i32
        %mul3A_665 = arith.muli %sub3A_663, %mul3A_664 : i32
        %add3A_666 = arith.constant 12 : i32
        %add3A_667 = arith.addi %mul3A_665, %add3A_666 : i32
        %sub3A_668 = arith.constant 1 : i32
        %sub3A_669 = arith.subi %scan3A_165, %sub3A_668 : i32
        %mul3A_670 = arith.constant 16 : i32
        %mul3A_671 = arith.muli %sub3A_669, %mul3A_670 : i32
        %add3A_672 = arith.constant 12 : i32
        %add3A_673 = arith.addi %mul3A_671, %add3A_672 : i32
        %dma_wait3A_674 = arith.constant 0 : i32
        %dma_wait3A_675 = tpu.memref_slice %arg6[%add3A_673, %dma_wait3A_674] : memref<416x128xf32, #tpu.memory_space<vmem>> -> memref<1x128xf32, #tpu.memory_space<vmem>>
        %dma_wait3A_676 = tpu.memref_squeeze %dma_wait3A_675 : memref<1x128xf32, #tpu.memory_space<vmem>> -> memref<128xf32, #tpu.memory_space<vmem>>
        %dma_wait3A_677 = arith.constant 0 : i32
        %dma_wait3A_678 = tpu.memref_slice %arg5[%add3A_667, %dma_wait3A_677] : memref<416x128xi32, #tpu.memory_space<vmem>> -> memref<1x128xi32, #tpu.memory_space<vmem>>
        %dma_wait3A_679 = tpu.memref_squeeze %dma_wait3A_678 : memref<1x128xi32, #tpu.memory_space<vmem>> -> memref<128xi32, #tpu.memory_space<vmem>>
        %dma_wait3A_680 = arith.constant 0 : i32
        %dma_wait3A_681 = tpu.memref_slice %arg2[%dma_wait3A_680] : memref<41600000xf32, #tpu.memory_space<hbm>> -> memref<41600000xf32, #tpu.memory_space<hbm>>
        tpu.wait_indirect_dma semaphore(%arg7 : memref<!tpu.dma_semaphore, #tpu.memory_space<semaphore_mem>>) src(%dma_wait3A_681 : memref<41600000xf32, #tpu.memory_space<hbm>>) dst(%dma_wait3A_676 : memref<128xf32, #tpu.memory_space<vmem>>)
        %sub3A_682 = arith.constant 1 : i32
        %sub3A_683 = arith.subi %scan3A_165, %sub3A_682 : i32
        %mul3A_684 = arith.constant 16 : i32
        %mul3A_685 = arith.muli %sub3A_683, %mul3A_684 : i32
        %add3A_686 = arith.constant 13 : i32
        %add3A_687 = arith.addi %mul3A_685, %add3A_686 : i32
        %sub3A_688 = arith.constant 1 : i32
        %sub3A_689 = arith.subi %scan3A_165, %sub3A_688 : i32
        %mul3A_690 = arith.constant 16 : i32
        %mul3A_691 = arith.muli %sub3A_689, %mul3A_690 : i32
        %add3A_692 = arith.constant 13 : i32
        %add3A_693 = arith.addi %mul3A_691, %add3A_692 : i32
        %dma_wait3A_694 = arith.constant 0 : i32
        %dma_wait3A_695 = tpu.memref_slice %arg6[%add3A_693, %dma_wait3A_694] : memref<416x128xf32, #tpu.memory_space<vmem>> -> memref<1x128xf32, #tpu.memory_space<vmem>>
        %dma_wait3A_696 = tpu.memref_squeeze %dma_wait3A_695 : memref<1x128xf32, #tpu.memory_space<vmem>> -> memref<128xf32, #tpu.memory_space<vmem>>
        %dma_wait3A_697 = arith.constant 0 : i32
        %dma_wait3A_698 = tpu.memref_slice %arg5[%add3A_687, %dma_wait3A_697] : memref<416x128xi32, #tpu.memory_space<vmem>> -> memref<1x128xi32, #tpu.memory_space<vmem>>
        %dma_wait3A_699 = tpu.memref_squeeze %dma_wait3A_698 : memref<1x128xi32, #tpu.memory_space<vmem>> -> memref<128xi32, #tpu.memory_space<vmem>>
        %dma_wait3A_700 = arith.constant 0 : i32
        %dma_wait3A_701 = tpu.memref_slice %arg2[%dma_wait3A_700] : memref<41600000xf32, #tpu.memory_space<hbm>> -> memref<41600000xf32, #tpu.memory_space<hbm>>
        tpu.wait_indirect_dma semaphore(%arg7 : memref<!tpu.dma_semaphore, #tpu.memory_space<semaphore_mem>>) src(%dma_wait3A_701 : memref<41600000xf32, #tpu.memory_space<hbm>>) dst(%dma_wait3A_696 : memref<128xf32, #tpu.memory_space<vmem>>)
        %sub3A_702 = arith.constant 1 : i32
        %sub3A_703 = arith.subi %scan3A_165, %sub3A_702 : i32
        %mul3A_704 = arith.constant 16 : i32
        %mul3A_705 = arith.muli %sub3A_703, %mul3A_704 : i32
        %add3A_706 = arith.constant 14 : i32
        %add3A_707 = arith.addi %mul3A_705, %add3A_706 : i32
        %sub3A_708 = arith.constant 1 : i32
        %sub3A_709 = arith.subi %scan3A_165, %sub3A_708 : i32
        %mul3A_710 = arith.constant 16 : i32
        %mul3A_711 = arith.muli %sub3A_709, %mul3A_710 : i32
        %add3A_712 = arith.constant 14 : i32
        %add3A_713 = arith.addi %mul3A_711, %add3A_712 : i32
        %dma_wait3A_714 = arith.constant 0 : i32
        %dma_wait3A_715 = tpu.memref_slice %arg6[%add3A_713, %dma_wait3A_714] : memref<416x128xf32, #tpu.memory_space<vmem>> -> memref<1x128xf32, #tpu.memory_space<vmem>>
        %dma_wait3A_716 = tpu.memref_squeeze %dma_wait3A_715 : memref<1x128xf32, #tpu.memory_space<vmem>> -> memref<128xf32, #tpu.memory_space<vmem>>
        %dma_wait3A_717 = arith.constant 0 : i32
        %dma_wait3A_718 = tpu.memref_slice %arg5[%add3A_707, %dma_wait3A_717] : memref<416x128xi32, #tpu.memory_space<vmem>> -> memref<1x128xi32, #tpu.memory_space<vmem>>
        %dma_wait3A_719 = tpu.memref_squeeze %dma_wait3A_718 : memref<1x128xi32, #tpu.memory_space<vmem>> -> memref<128xi32, #tpu.memory_space<vmem>>
        %dma_wait3A_720 = arith.constant 0 : i32
        %dma_wait3A_721 = tpu.memref_slice %arg2[%dma_wait3A_720] : memref<41600000xf32, #tpu.memory_space<hbm>> -> memref<41600000xf32, #tpu.memory_space<hbm>>
        tpu.wait_indirect_dma semaphore(%arg7 : memref<!tpu.dma_semaphore, #tpu.memory_space<semaphore_mem>>) src(%dma_wait3A_721 : memref<41600000xf32, #tpu.memory_space<hbm>>) dst(%dma_wait3A_716 : memref<128xf32, #tpu.memory_space<vmem>>)
        %sub3A_722 = arith.constant 1 : i32
        %sub3A_723 = arith.subi %scan3A_165, %sub3A_722 : i32
        %mul3A_724 = arith.constant 16 : i32
        %mul3A_725 = arith.muli %sub3A_723, %mul3A_724 : i32
        %add3A_726 = arith.constant 15 : i32
        %add3A_727 = arith.addi %mul3A_725, %add3A_726 : i32
        %sub3A_728 = arith.constant 1 : i32
        %sub3A_729 = arith.subi %scan3A_165, %sub3A_728 : i32
        %mul3A_730 = arith.constant 16 : i32
        %mul3A_731 = arith.muli %sub3A_729, %mul3A_730 : i32
        %add3A_732 = arith.constant 15 : i32
        %add3A_733 = arith.addi %mul3A_731, %add3A_732 : i32
        %dma_wait3A_734 = arith.constant 0 : i32
        %dma_wait3A_735 = tpu.memref_slice %arg6[%add3A_733, %dma_wait3A_734] : memref<416x128xf32, #tpu.memory_space<vmem>> -> memref<1x128xf32, #tpu.memory_space<vmem>>
        %dma_wait3A_736 = tpu.memref_squeeze %dma_wait3A_735 : memref<1x128xf32, #tpu.memory_space<vmem>> -> memref<128xf32, #tpu.memory_space<vmem>>
        %dma_wait3A_737 = arith.constant 0 : i32
        %dma_wait3A_738 = tpu.memref_slice %arg5[%add3A_727, %dma_wait3A_737] : memref<416x128xi32, #tpu.memory_space<vmem>> -> memref<1x128xi32, #tpu.memory_space<vmem>>
        %dma_wait3A_739 = tpu.memref_squeeze %dma_wait3A_738 : memref<1x128xi32, #tpu.memory_space<vmem>> -> memref<128xi32, #tpu.memory_space<vmem>>
        %dma_wait3A_740 = arith.constant 0 : i32
        %dma_wait3A_741 = tpu.memref_slice %arg2[%dma_wait3A_740] : memref<41600000xf32, #tpu.memory_space<hbm>> -> memref<41600000xf32, #tpu.memory_space<hbm>>
        tpu.wait_indirect_dma semaphore(%arg7 : memref<!tpu.dma_semaphore, #tpu.memory_space<semaphore_mem>>) src(%dma_wait3A_741 : memref<41600000xf32, #tpu.memory_space<hbm>>) dst(%dma_wait3A_736 : memref<128xf32, #tpu.memory_space<vmem>>)
      } else {
      }
    }
    %scan3A_5 = arith.constant 26 : i32
    %dma_wait3A = arith.constant 400 : i32
    %dma_wait3A_6 = arith.constant 400 : i32
    %dma_wait3A_7 = arith.constant 0 : i32
    %dma_wait3A_8 = tpu.memref_slice %arg6[%dma_wait3A_6, %dma_wait3A_7] : memref<416x128xf32, #tpu.memory_space<vmem>> -> memref<1x128xf32, #tpu.memory_space<vmem>>
    %dma_wait3A_9 = tpu.memref_squeeze %dma_wait3A_8 : memref<1x128xf32, #tpu.memory_space<vmem>> -> memref<128xf32, #tpu.memory_space<vmem>>
    %dma_wait3A_10 = arith.constant 0 : i32
    %dma_wait3A_11 = tpu.memref_slice %arg5[%dma_wait3A, %dma_wait3A_10] : memref<416x128xi32, #tpu.memory_space<vmem>> -> memref<1x128xi32, #tpu.memory_space<vmem>>
    %dma_wait3A_12 = tpu.memref_squeeze %dma_wait3A_11 : memref<1x128xi32, #tpu.memory_space<vmem>> -> memref<128xi32, #tpu.memory_space<vmem>>
    %dma_wait3A_13 = arith.constant 0 : i32
    %dma_wait3A_14 = tpu.memref_slice %arg2[%dma_wait3A_13] : memref<41600000xf32, #tpu.memory_space<hbm>> -> memref<41600000xf32, #tpu.memory_space<hbm>>
    tpu.wait_indirect_dma semaphore(%arg7 : memref<!tpu.dma_semaphore, #tpu.memory_space<semaphore_mem>>) src(%dma_wait3A_14 : memref<41600000xf32, #tpu.memory_space<hbm>>) dst(%dma_wait3A_9 : memref<128xf32, #tpu.memory_space<vmem>>)
    %dma_wait3A_15 = arith.constant 401 : i32
    %dma_wait3A_16 = arith.constant 401 : i32
    %dma_wait3A_17 = arith.constant 0 : i32
    %dma_wait3A_18 = tpu.memref_slice %arg6[%dma_wait3A_16, %dma_wait3A_17] : memref<416x128xf32, #tpu.memory_space<vmem>> -> memref<1x128xf32, #tpu.memory_space<vmem>>
    %dma_wait3A_19 = tpu.memref_squeeze %dma_wait3A_18 : memref<1x128xf32, #tpu.memory_space<vmem>> -> memref<128xf32, #tpu.memory_space<vmem>>
    %dma_wait3A_20 = arith.constant 0 : i32
    %dma_wait3A_21 = tpu.memref_slice %arg5[%dma_wait3A_15, %dma_wait3A_20] : memref<416x128xi32, #tpu.memory_space<vmem>> -> memref<1x128xi32, #tpu.memory_space<vmem>>
    %dma_wait3A_22 = tpu.memref_squeeze %dma_wait3A_21 : memref<1x128xi32, #tpu.memory_space<vmem>> -> memref<128xi32, #tpu.memory_space<vmem>>
    %dma_wait3A_23 = arith.constant 0 : i32
    %dma_wait3A_24 = tpu.memref_slice %arg2[%dma_wait3A_23] : memref<41600000xf32, #tpu.memory_space<hbm>> -> memref<41600000xf32, #tpu.memory_space<hbm>>
    tpu.wait_indirect_dma semaphore(%arg7 : memref<!tpu.dma_semaphore, #tpu.memory_space<semaphore_mem>>) src(%dma_wait3A_24 : memref<41600000xf32, #tpu.memory_space<hbm>>) dst(%dma_wait3A_19 : memref<128xf32, #tpu.memory_space<vmem>>)
    %dma_wait3A_25 = arith.constant 402 : i32
    %dma_wait3A_26 = arith.constant 402 : i32
    %dma_wait3A_27 = arith.constant 0 : i32
    %dma_wait3A_28 = tpu.memref_slice %arg6[%dma_wait3A_26, %dma_wait3A_27] : memref<416x128xf32, #tpu.memory_space<vmem>> -> memref<1x128xf32, #tpu.memory_space<vmem>>
    %dma_wait3A_29 = tpu.memref_squeeze %dma_wait3A_28 : memref<1x128xf32, #tpu.memory_space<vmem>> -> memref<128xf32, #tpu.memory_space<vmem>>
    %dma_wait3A_30 = arith.constant 0 : i32
    %dma_wait3A_31 = tpu.memref_slice %arg5[%dma_wait3A_25, %dma_wait3A_30] : memref<416x128xi32, #tpu.memory_space<vmem>> -> memref<1x128xi32, #tpu.memory_space<vmem>>
    %dma_wait3A_32 = tpu.memref_squeeze %dma_wait3A_31 : memref<1x128xi32, #tpu.memory_space<vmem>> -> memref<128xi32, #tpu.memory_space<vmem>>
    %dma_wait3A_33 = arith.constant 0 : i32
    %dma_wait3A_34 = tpu.memref_slice %arg2[%dma_wait3A_33] : memref<41600000xf32, #tpu.memory_space<hbm>> -> memref<41600000xf32, #tpu.memory_space<hbm>>
    tpu.wait_indirect_dma semaphore(%arg7 : memref<!tpu.dma_semaphore, #tpu.memory_space<semaphore_mem>>) src(%dma_wait3A_34 : memref<41600000xf32, #tpu.memory_space<hbm>>) dst(%dma_wait3A_29 : memref<128xf32, #tpu.memory_space<vmem>>)
    %dma_wait3A_35 = arith.constant 403 : i32
    %dma_wait3A_36 = arith.constant 403 : i32
    %dma_wait3A_37 = arith.constant 0 : i32
    %dma_wait3A_38 = tpu.memref_slice %arg6[%dma_wait3A_36, %dma_wait3A_37] : memref<416x128xf32, #tpu.memory_space<vmem>> -> memref<1x128xf32, #tpu.memory_space<vmem>>
    %dma_wait3A_39 = tpu.memref_squeeze %dma_wait3A_38 : memref<1x128xf32, #tpu.memory_space<vmem>> -> memref<128xf32, #tpu.memory_space<vmem>>
    %dma_wait3A_40 = arith.constant 0 : i32
    %dma_wait3A_41 = tpu.memref_slice %arg5[%dma_wait3A_35, %dma_wait3A_40] : memref<416x128xi32, #tpu.memory_space<vmem>> -> memref<1x128xi32, #tpu.memory_space<vmem>>
    %dma_wait3A_42 = tpu.memref_squeeze %dma_wait3A_41 : memref<1x128xi32, #tpu.memory_space<vmem>> -> memref<128xi32, #tpu.memory_space<vmem>>
    %dma_wait3A_43 = arith.constant 0 : i32
    %dma_wait3A_44 = tpu.memref_slice %arg2[%dma_wait3A_43] : memref<41600000xf32, #tpu.memory_space<hbm>> -> memref<41600000xf32, #tpu.memory_space<hbm>>
    tpu.wait_indirect_dma semaphore(%arg7 : memref<!tpu.dma_semaphore, #tpu.memory_space<semaphore_mem>>) src(%dma_wait3A_44 : memref<41600000xf32, #tpu.memory_space<hbm>>) dst(%dma_wait3A_39 : memref<128xf32, #tpu.memory_space<vmem>>)
    %dma_wait3A_45 = arith.constant 404 : i32
    %dma_wait3A_46 = arith.constant 404 : i32
    %dma_wait3A_47 = arith.constant 0 : i32
    %dma_wait3A_48 = tpu.memref_slice %arg6[%dma_wait3A_46, %dma_wait3A_47] : memref<416x128xf32, #tpu.memory_space<vmem>> -> memref<1x128xf32, #tpu.memory_space<vmem>>
    %dma_wait3A_49 = tpu.memref_squeeze %dma_wait3A_48 : memref<1x128xf32, #tpu.memory_space<vmem>> -> memref<128xf32, #tpu.memory_space<vmem>>
    %dma_wait3A_50 = arith.constant 0 : i32
    %dma_wait3A_51 = tpu.memref_slice %arg5[%dma_wait3A_45, %dma_wait3A_50] : memref<416x128xi32, #tpu.memory_space<vmem>> -> memref<1x128xi32, #tpu.memory_space<vmem>>
    %dma_wait3A_52 = tpu.memref_squeeze %dma_wait3A_51 : memref<1x128xi32, #tpu.memory_space<vmem>> -> memref<128xi32, #tpu.memory_space<vmem>>
    %dma_wait3A_53 = arith.constant 0 : i32
    %dma_wait3A_54 = tpu.memref_slice %arg2[%dma_wait3A_53] : memref<41600000xf32, #tpu.memory_space<hbm>> -> memref<41600000xf32, #tpu.memory_space<hbm>>
    tpu.wait_indirect_dma semaphore(%arg7 : memref<!tpu.dma_semaphore, #tpu.memory_space<semaphore_mem>>) src(%dma_wait3A_54 : memref<41600000xf32, #tpu.memory_space<hbm>>) dst(%dma_wait3A_49 : memref<128xf32, #tpu.memory_space<vmem>>)
    %dma_wait3A_55 = arith.constant 405 : i32
    %dma_wait3A_56 = arith.constant 405 : i32
    %dma_wait3A_57 = arith.constant 0 : i32
    %dma_wait3A_58 = tpu.memref_slice %arg6[%dma_wait3A_56, %dma_wait3A_57] : memref<416x128xf32, #tpu.memory_space<vmem>> -> memref<1x128xf32, #tpu.memory_space<vmem>>
    %dma_wait3A_59 = tpu.memref_squeeze %dma_wait3A_58 : memref<1x128xf32, #tpu.memory_space<vmem>> -> memref<128xf32, #tpu.memory_space<vmem>>
    %dma_wait3A_60 = arith.constant 0 : i32
    %dma_wait3A_61 = tpu.memref_slice %arg5[%dma_wait3A_55, %dma_wait3A_60] : memref<416x128xi32, #tpu.memory_space<vmem>> -> memref<1x128xi32, #tpu.memory_space<vmem>>
    %dma_wait3A_62 = tpu.memref_squeeze %dma_wait3A_61 : memref<1x128xi32, #tpu.memory_space<vmem>> -> memref<128xi32, #tpu.memory_space<vmem>>
    %dma_wait3A_63 = arith.constant 0 : i32
    %dma_wait3A_64 = tpu.memref_slice %arg2[%dma_wait3A_63] : memref<41600000xf32, #tpu.memory_space<hbm>> -> memref<41600000xf32, #tpu.memory_space<hbm>>
    tpu.wait_indirect_dma semaphore(%arg7 : memref<!tpu.dma_semaphore, #tpu.memory_space<semaphore_mem>>) src(%dma_wait3A_64 : memref<41600000xf32, #tpu.memory_space<hbm>>) dst(%dma_wait3A_59 : memref<128xf32, #tpu.memory_space<vmem>>)
    %dma_wait3A_65 = arith.constant 406 : i32
    %dma_wait3A_66 = arith.constant 406 : i32
    %dma_wait3A_67 = arith.constant 0 : i32
    %dma_wait3A_68 = tpu.memref_slice %arg6[%dma_wait3A_66, %dma_wait3A_67] : memref<416x128xf32, #tpu.memory_space<vmem>> -> memref<1x128xf32, #tpu.memory_space<vmem>>
    %dma_wait3A_69 = tpu.memref_squeeze %dma_wait3A_68 : memref<1x128xf32, #tpu.memory_space<vmem>> -> memref<128xf32, #tpu.memory_space<vmem>>
    %dma_wait3A_70 = arith.constant 0 : i32
    %dma_wait3A_71 = tpu.memref_slice %arg5[%dma_wait3A_65, %dma_wait3A_70] : memref<416x128xi32, #tpu.memory_space<vmem>> -> memref<1x128xi32, #tpu.memory_space<vmem>>
    %dma_wait3A_72 = tpu.memref_squeeze %dma_wait3A_71 : memref<1x128xi32, #tpu.memory_space<vmem>> -> memref<128xi32, #tpu.memory_space<vmem>>
    %dma_wait3A_73 = arith.constant 0 : i32
    %dma_wait3A_74 = tpu.memref_slice %arg2[%dma_wait3A_73] : memref<41600000xf32, #tpu.memory_space<hbm>> -> memref<41600000xf32, #tpu.memory_space<hbm>>
    tpu.wait_indirect_dma semaphore(%arg7 : memref<!tpu.dma_semaphore, #tpu.memory_space<semaphore_mem>>) src(%dma_wait3A_74 : memref<41600000xf32, #tpu.memory_space<hbm>>) dst(%dma_wait3A_69 : memref<128xf32, #tpu.memory_space<vmem>>)
    %dma_wait3A_75 = arith.constant 407 : i32
    %dma_wait3A_76 = arith.constant 407 : i32
    %dma_wait3A_77 = arith.constant 0 : i32
    %dma_wait3A_78 = tpu.memref_slice %arg6[%dma_wait3A_76, %dma_wait3A_77] : memref<416x128xf32, #tpu.memory_space<vmem>> -> memref<1x128xf32, #tpu.memory_space<vmem>>
    %dma_wait3A_79 = tpu.memref_squeeze %dma_wait3A_78 : memref<1x128xf32, #tpu.memory_space<vmem>> -> memref<128xf32, #tpu.memory_space<vmem>>
    %dma_wait3A_80 = arith.constant 0 : i32
    %dma_wait3A_81 = tpu.memref_slice %arg5[%dma_wait3A_75, %dma_wait3A_80] : memref<416x128xi32, #tpu.memory_space<vmem>> -> memref<1x128xi32, #tpu.memory_space<vmem>>
    %dma_wait3A_82 = tpu.memref_squeeze %dma_wait3A_81 : memref<1x128xi32, #tpu.memory_space<vmem>> -> memref<128xi32, #tpu.memory_space<vmem>>
    %dma_wait3A_83 = arith.constant 0 : i32
    %dma_wait3A_84 = tpu.memref_slice %arg2[%dma_wait3A_83] : memref<41600000xf32, #tpu.memory_space<hbm>> -> memref<41600000xf32, #tpu.memory_space<hbm>>
    tpu.wait_indirect_dma semaphore(%arg7 : memref<!tpu.dma_semaphore, #tpu.memory_space<semaphore_mem>>) src(%dma_wait3A_84 : memref<41600000xf32, #tpu.memory_space<hbm>>) dst(%dma_wait3A_79 : memref<128xf32, #tpu.memory_space<vmem>>)
    %dma_wait3A_85 = arith.constant 408 : i32
    %dma_wait3A_86 = arith.constant 408 : i32
    %dma_wait3A_87 = arith.constant 0 : i32
    %dma_wait3A_88 = tpu.memref_slice %arg6[%dma_wait3A_86, %dma_wait3A_87] : memref<416x128xf32, #tpu.memory_space<vmem>> -> memref<1x128xf32, #tpu.memory_space<vmem>>
    %dma_wait3A_89 = tpu.memref_squeeze %dma_wait3A_88 : memref<1x128xf32, #tpu.memory_space<vmem>> -> memref<128xf32, #tpu.memory_space<vmem>>
    %dma_wait3A_90 = arith.constant 0 : i32
    %dma_wait3A_91 = tpu.memref_slice %arg5[%dma_wait3A_85, %dma_wait3A_90] : memref<416x128xi32, #tpu.memory_space<vmem>> -> memref<1x128xi32, #tpu.memory_space<vmem>>
    %dma_wait3A_92 = tpu.memref_squeeze %dma_wait3A_91 : memref<1x128xi32, #tpu.memory_space<vmem>> -> memref<128xi32, #tpu.memory_space<vmem>>
    %dma_wait3A_93 = arith.constant 0 : i32
    %dma_wait3A_94 = tpu.memref_slice %arg2[%dma_wait3A_93] : memref<41600000xf32, #tpu.memory_space<hbm>> -> memref<41600000xf32, #tpu.memory_space<hbm>>
    tpu.wait_indirect_dma semaphore(%arg7 : memref<!tpu.dma_semaphore, #tpu.memory_space<semaphore_mem>>) src(%dma_wait3A_94 : memref<41600000xf32, #tpu.memory_space<hbm>>) dst(%dma_wait3A_89 : memref<128xf32, #tpu.memory_space<vmem>>)
    %dma_wait3A_95 = arith.constant 409 : i32
    %dma_wait3A_96 = arith.constant 409 : i32
    %dma_wait3A_97 = arith.constant 0 : i32
    %dma_wait3A_98 = tpu.memref_slice %arg6[%dma_wait3A_96, %dma_wait3A_97] : memref<416x128xf32, #tpu.memory_space<vmem>> -> memref<1x128xf32, #tpu.memory_space<vmem>>
    %dma_wait3A_99 = tpu.memref_squeeze %dma_wait3A_98 : memref<1x128xf32, #tpu.memory_space<vmem>> -> memref<128xf32, #tpu.memory_space<vmem>>
    %dma_wait3A_100 = arith.constant 0 : i32
    %dma_wait3A_101 = tpu.memref_slice %arg5[%dma_wait3A_95, %dma_wait3A_100] : memref<416x128xi32, #tpu.memory_space<vmem>> -> memref<1x128xi32, #tpu.memory_space<vmem>>
    %dma_wait3A_102 = tpu.memref_squeeze %dma_wait3A_101 : memref<1x128xi32, #tpu.memory_space<vmem>> -> memref<128xi32, #tpu.memory_space<vmem>>
    %dma_wait3A_103 = arith.constant 0 : i32
    %dma_wait3A_104 = tpu.memref_slice %arg2[%dma_wait3A_103] : memref<41600000xf32, #tpu.memory_space<hbm>> -> memref<41600000xf32, #tpu.memory_space<hbm>>
    tpu.wait_indirect_dma semaphore(%arg7 : memref<!tpu.dma_semaphore, #tpu.memory_space<semaphore_mem>>) src(%dma_wait3A_104 : memref<41600000xf32, #tpu.memory_space<hbm>>) dst(%dma_wait3A_99 : memref<128xf32, #tpu.memory_space<vmem>>)
    %dma_wait3A_105 = arith.constant 410 : i32
    %dma_wait3A_106 = arith.constant 410 : i32
    %dma_wait3A_107 = arith.constant 0 : i32
    %dma_wait3A_108 = tpu.memref_slice %arg6[%dma_wait3A_106, %dma_wait3A_107] : memref<416x128xf32, #tpu.memory_space<vmem>> -> memref<1x128xf32, #tpu.memory_space<vmem>>
    %dma_wait3A_109 = tpu.memref_squeeze %dma_wait3A_108 : memref<1x128xf32, #tpu.memory_space<vmem>> -> memref<128xf32, #tpu.memory_space<vmem>>
    %dma_wait3A_110 = arith.constant 0 : i32
    %dma_wait3A_111 = tpu.memref_slice %arg5[%dma_wait3A_105, %dma_wait3A_110] : memref<416x128xi32, #tpu.memory_space<vmem>> -> memref<1x128xi32, #tpu.memory_space<vmem>>
    %dma_wait3A_112 = tpu.memref_squeeze %dma_wait3A_111 : memref<1x128xi32, #tpu.memory_space<vmem>> -> memref<128xi32, #tpu.memory_space<vmem>>
    %dma_wait3A_113 = arith.constant 0 : i32
    %dma_wait3A_114 = tpu.memref_slice %arg2[%dma_wait3A_113] : memref<41600000xf32, #tpu.memory_space<hbm>> -> memref<41600000xf32, #tpu.memory_space<hbm>>
    tpu.wait_indirect_dma semaphore(%arg7 : memref<!tpu.dma_semaphore, #tpu.memory_space<semaphore_mem>>) src(%dma_wait3A_114 : memref<41600000xf32, #tpu.memory_space<hbm>>) dst(%dma_wait3A_109 : memref<128xf32, #tpu.memory_space<vmem>>)
    %dma_wait3A_115 = arith.constant 411 : i32
    %dma_wait3A_116 = arith.constant 411 : i32
    %dma_wait3A_117 = arith.constant 0 : i32
    %dma_wait3A_118 = tpu.memref_slice %arg6[%dma_wait3A_116, %dma_wait3A_117] : memref<416x128xf32, #tpu.memory_space<vmem>> -> memref<1x128xf32, #tpu.memory_space<vmem>>
    %dma_wait3A_119 = tpu.memref_squeeze %dma_wait3A_118 : memref<1x128xf32, #tpu.memory_space<vmem>> -> memref<128xf32, #tpu.memory_space<vmem>>
    %dma_wait3A_120 = arith.constant 0 : i32
    %dma_wait3A_121 = tpu.memref_slice %arg5[%dma_wait3A_115, %dma_wait3A_120] : memref<416x128xi32, #tpu.memory_space<vmem>> -> memref<1x128xi32, #tpu.memory_space<vmem>>
    %dma_wait3A_122 = tpu.memref_squeeze %dma_wait3A_121 : memref<1x128xi32, #tpu.memory_space<vmem>> -> memref<128xi32, #tpu.memory_space<vmem>>
    %dma_wait3A_123 = arith.constant 0 : i32
    %dma_wait3A_124 = tpu.memref_slice %arg2[%dma_wait3A_123] : memref<41600000xf32, #tpu.memory_space<hbm>> -> memref<41600000xf32, #tpu.memory_space<hbm>>
    tpu.wait_indirect_dma semaphore(%arg7 : memref<!tpu.dma_semaphore, #tpu.memory_space<semaphore_mem>>) src(%dma_wait3A_124 : memref<41600000xf32, #tpu.memory_space<hbm>>) dst(%dma_wait3A_119 : memref<128xf32, #tpu.memory_space<vmem>>)
    %dma_wait3A_125 = arith.constant 412 : i32
    %dma_wait3A_126 = arith.constant 412 : i32
    %dma_wait3A_127 = arith.constant 0 : i32
    %dma_wait3A_128 = tpu.memref_slice %arg6[%dma_wait3A_126, %dma_wait3A_127] : memref<416x128xf32, #tpu.memory_space<vmem>> -> memref<1x128xf32, #tpu.memory_space<vmem>>
    %dma_wait3A_129 = tpu.memref_squeeze %dma_wait3A_128 : memref<1x128xf32, #tpu.memory_space<vmem>> -> memref<128xf32, #tpu.memory_space<vmem>>
    %dma_wait3A_130 = arith.constant 0 : i32
    %dma_wait3A_131 = tpu.memref_slice %arg5[%dma_wait3A_125, %dma_wait3A_130] : memref<416x128xi32, #tpu.memory_space<vmem>> -> memref<1x128xi32, #tpu.memory_space<vmem>>
    %dma_wait3A_132 = tpu.memref_squeeze %dma_wait3A_131 : memref<1x128xi32, #tpu.memory_space<vmem>> -> memref<128xi32, #tpu.memory_space<vmem>>
    %dma_wait3A_133 = arith.constant 0 : i32
    %dma_wait3A_134 = tpu.memref_slice %arg2[%dma_wait3A_133] : memref<41600000xf32, #tpu.memory_space<hbm>> -> memref<41600000xf32, #tpu.memory_space<hbm>>
    tpu.wait_indirect_dma semaphore(%arg7 : memref<!tpu.dma_semaphore, #tpu.memory_space<semaphore_mem>>) src(%dma_wait3A_134 : memref<41600000xf32, #tpu.memory_space<hbm>>) dst(%dma_wait3A_129 : memref<128xf32, #tpu.memory_space<vmem>>)
    %dma_wait3A_135 = arith.constant 413 : i32
    %dma_wait3A_136 = arith.constant 413 : i32
    %dma_wait3A_137 = arith.constant 0 : i32
    %dma_wait3A_138 = tpu.memref_slice %arg6[%dma_wait3A_136, %dma_wait3A_137] : memref<416x128xf32, #tpu.memory_space<vmem>> -> memref<1x128xf32, #tpu.memory_space<vmem>>
    %dma_wait3A_139 = tpu.memref_squeeze %dma_wait3A_138 : memref<1x128xf32, #tpu.memory_space<vmem>> -> memref<128xf32, #tpu.memory_space<vmem>>
    %dma_wait3A_140 = arith.constant 0 : i32
    %dma_wait3A_141 = tpu.memref_slice %arg5[%dma_wait3A_135, %dma_wait3A_140] : memref<416x128xi32, #tpu.memory_space<vmem>> -> memref<1x128xi32, #tpu.memory_space<vmem>>
    %dma_wait3A_142 = tpu.memref_squeeze %dma_wait3A_141 : memref<1x128xi32, #tpu.memory_space<vmem>> -> memref<128xi32, #tpu.memory_space<vmem>>
    %dma_wait3A_143 = arith.constant 0 : i32
    %dma_wait3A_144 = tpu.memref_slice %arg2[%dma_wait3A_143] : memref<41600000xf32, #tpu.memory_space<hbm>> -> memref<41600000xf32, #tpu.memory_space<hbm>>
    tpu.wait_indirect_dma semaphore(%arg7 : memref<!tpu.dma_semaphore, #tpu.memory_space<semaphore_mem>>) src(%dma_wait3A_144 : memref<41600000xf32, #tpu.memory_space<hbm>>) dst(%dma_wait3A_139 : memref<128xf32, #tpu.memory_space<vmem>>)
    %dma_wait3A_145 = arith.constant 414 : i32
    %dma_wait3A_146 = arith.constant 414 : i32
    %dma_wait3A_147 = arith.constant 0 : i32
    %dma_wait3A_148 = tpu.memref_slice %arg6[%dma_wait3A_146, %dma_wait3A_147] : memref<416x128xf32, #tpu.memory_space<vmem>> -> memref<1x128xf32, #tpu.memory_space<vmem>>
    %dma_wait3A_149 = tpu.memref_squeeze %dma_wait3A_148 : memref<1x128xf32, #tpu.memory_space<vmem>> -> memref<128xf32, #tpu.memory_space<vmem>>
    %dma_wait3A_150 = arith.constant 0 : i32
    %dma_wait3A_151 = tpu.memref_slice %arg5[%dma_wait3A_145, %dma_wait3A_150] : memref<416x128xi32, #tpu.memory_space<vmem>> -> memref<1x128xi32, #tpu.memory_space<vmem>>
    %dma_wait3A_152 = tpu.memref_squeeze %dma_wait3A_151 : memref<1x128xi32, #tpu.memory_space<vmem>> -> memref<128xi32, #tpu.memory_space<vmem>>
    %dma_wait3A_153 = arith.constant 0 : i32
    %dma_wait3A_154 = tpu.memref_slice %arg2[%dma_wait3A_153] : memref<41600000xf32, #tpu.memory_space<hbm>> -> memref<41600000xf32, #tpu.memory_space<hbm>>
    tpu.wait_indirect_dma semaphore(%arg7 : memref<!tpu.dma_semaphore, #tpu.memory_space<semaphore_mem>>) src(%dma_wait3A_154 : memref<41600000xf32, #tpu.memory_space<hbm>>) dst(%dma_wait3A_149 : memref<128xf32, #tpu.memory_space<vmem>>)
    %dma_wait3A_155 = arith.constant 415 : i32
    %dma_wait3A_156 = arith.constant 415 : i32
    %dma_wait3A_157 = arith.constant 0 : i32
    %dma_wait3A_158 = tpu.memref_slice %arg6[%dma_wait3A_156, %dma_wait3A_157] : memref<416x128xf32, #tpu.memory_space<vmem>> -> memref<1x128xf32, #tpu.memory_space<vmem>>
    %dma_wait3A_159 = tpu.memref_squeeze %dma_wait3A_158 : memref<1x128xf32, #tpu.memory_space<vmem>> -> memref<128xf32, #tpu.memory_space<vmem>>
    %dma_wait3A_160 = arith.constant 0 : i32
    %dma_wait3A_161 = tpu.memref_slice %arg5[%dma_wait3A_155, %dma_wait3A_160] : memref<416x128xi32, #tpu.memory_space<vmem>> -> memref<1x128xi32, #tpu.memory_space<vmem>>
    %dma_wait3A_162 = tpu.memref_squeeze %dma_wait3A_161 : memref<1x128xi32, #tpu.memory_space<vmem>> -> memref<128xi32, #tpu.memory_space<vmem>>
    %dma_wait3A_163 = arith.constant 0 : i32
    %dma_wait3A_164 = tpu.memref_slice %arg2[%dma_wait3A_163] : memref<41600000xf32, #tpu.memory_space<hbm>> -> memref<41600000xf32, #tpu.memory_space<hbm>>
    tpu.wait_indirect_dma semaphore(%arg7 : memref<!tpu.dma_semaphore, #tpu.memory_space<semaphore_mem>>) src(%dma_wait3A_164 : memref<41600000xf32, #tpu.memory_space<hbm>>) dst(%dma_wait3A_159 : memref<128xf32, #tpu.memory_space<vmem>>)
    "tpu.region"() ({
      %run_scoped3A = tpu.sem_alloc : memref<!tpu.dma_semaphore, #tpu.memory_space<semaphore_mem>>
      %dma_start3A = arith.constant 0 : i32
      %dma_start3A_165 = arith.constant 0 : i32
      %dma_start3A_166 = tpu.memref_slice %arg4[%add3A, %dma_start3A, %dma_start3A_165] : memref<32x416x128xf32, #tpu.memory_space<hbm>> -> memref<1x416x128xf32, #tpu.memory_space<hbm>>
      %dma_start3A_167 = tpu.memref_squeeze %dma_start3A_166 : memref<1x416x128xf32, #tpu.memory_space<hbm>> -> memref<416x128xf32, #tpu.memory_space<hbm>>
      %dma_start3A_168 = arith.constant 0 : i32
      %dma_start3A_169 = arith.constant 0 : i32
      %dma_start3A_170 = tpu.memref_slice %arg4[%add3A, %dma_start3A_168, %dma_start3A_169] : memref<32x416x128xf32, #tpu.memory_space<hbm>> -> memref<1x416x128xf32, #tpu.memory_space<hbm>>
      %dma_start3A_171 = tpu.memref_squeeze %dma_start3A_170 : memref<1x416x128xf32, #tpu.memory_space<hbm>> -> memref<416x128xf32, #tpu.memory_space<hbm>>
      tpu.enqueue_dma source(%arg6 : memref<416x128xf32, #tpu.memory_space<vmem>>) target(%dma_start3A_171 : memref<416x128xf32, #tpu.memory_space<hbm>>) target_semaphore(%run_scoped3A : memref<!tpu.dma_semaphore, #tpu.memory_space<semaphore_mem>>)
      %dma_wait3A_172 = arith.constant 0 : i32
      %dma_wait3A_173 = arith.constant 0 : i32
      %dma_wait3A_174 = tpu.memref_slice %arg4[%add3A, %dma_wait3A_172, %dma_wait3A_173] : memref<32x416x128xf32, #tpu.memory_space<hbm>> -> memref<1x416x128xf32, #tpu.memory_space<hbm>>
      %dma_wait3A_175 = tpu.memref_squeeze %dma_wait3A_174 : memref<1x416x128xf32, #tpu.memory_space<hbm>> -> memref<416x128xf32, #tpu.memory_space<hbm>>
      %dma_wait3A_176 = arith.constant 0 : i32
      %dma_wait3A_177 = arith.constant 0 : i32
      %dma_wait3A_178 = tpu.memref_slice %arg4[%add3A, %dma_wait3A_176, %dma_wait3A_177] : memref<32x416x128xf32, #tpu.memory_space<hbm>> -> memref<1x416x128xf32, #tpu.memory_space<hbm>>
      %dma_wait3A_179 = tpu.memref_squeeze %dma_wait3A_178 : memref<1x416x128xf32, #tpu.memory_space<hbm>> -> memref<416x128xf32, #tpu.memory_space<hbm>>
      tpu.wait_dma2 semaphore(%run_scoped3A : memref<!tpu.dma_semaphore, #tpu.memory_space<semaphore_mem>>) src(%arg6 : memref<416x128xf32, #tpu.memory_space<vmem>>) dst(%dma_wait3A_179 : memref<416x128xf32, #tpu.memory_space<hbm>>)
      tpu.yield
    }) : () -> ()
    return
  }
}

module attributes {stable_mosaic.version = 14 : i64} {
  func.func @_tc_body(%arg0: i32, %arg1: memref<512x13xf32, #tpu.memory_space<vmem>>, %arg2: memref<416x512xf32, #tpu.memory_space<vmem>>, %arg3: memref<1x1x512xf32, #tpu.memory_space<vmem>>, %arg4: memref<512x13xf32, #tpu.memory_space<vmem>>, %arg5: memref<1x512xf32, #tpu.memory_space<vmem>>, %arg6: memref<256x512xf32, #tpu.memory_space<vmem>>, %arg7: memref<1x256xf32, #tpu.memory_space<vmem>>, %arg8: memref<64x256xf32, #tpu.memory_space<vmem>>, %arg9: memref<1x64xf32, #tpu.memory_space<vmem>>, %arg10: memref<16x64xf32, #tpu.memory_space<vmem>>, %arg11: memref<1x16xf32, #tpu.memory_space<vmem>>, %arg12: memref<512x16xf32, #tpu.memory_space<vmem>>, %arg13: memref<512x416xf32, #tpu.memory_space<vmem>>, %arg14: memref<512x1024xf32, #tpu.memory_space<vmem>>, %arg15: memref<512x16xf32, #tpu.memory_space<vmem>>, %arg16: memref<512x1xf32, #tpu.memory_space<vmem>>, %arg17: memref<256x512xf32, #tpu.memory_space<vmem>>, %arg18: memref<256x1xf32, #tpu.memory_space<vmem>>, %arg19: memref<1x256xf32, #tpu.memory_space<vmem>>, %arg20: memref<1x1xf32, #tpu.memory_space<vmem>>, %arg21: memref<1x1xf32, #tpu.memory_space<vmem>>) attributes {dimension_semantics = [#tpu.dimension_semantics<arbitrary>], iteration_bounds = array<i64: 8>, scalar_prefetch = 0 : i64, scratch_operands = 0 : i64, tpu.core_type = #tpu.core_type<tc>, window_params = [{transform_indices = @transform_0, window_bounds = array<i64: 512, 13>}, {transform_indices = @transform_1, window_bounds = array<i64: 416, 512>}, {transform_indices = @transform_2, window_bounds = array<i64: 1, 1, 512>}, {pipeline_mode = #tpu.pipeline_mode<synchronous>, transform_indices = @transform_3, window_bounds = array<i64: 512, 13>}, {pipeline_mode = #tpu.pipeline_mode<synchronous>, transform_indices = @transform_4, window_bounds = array<i64: 1, 512>}, {pipeline_mode = #tpu.pipeline_mode<synchronous>, transform_indices = @transform_5, window_bounds = array<i64: 256, 512>}, {pipeline_mode = #tpu.pipeline_mode<synchronous>, transform_indices = @transform_6, window_bounds = array<i64: 1, 256>}, {pipeline_mode = #tpu.pipeline_mode<synchronous>, transform_indices = @transform_7, window_bounds = array<i64: 64, 256>}, {pipeline_mode = #tpu.pipeline_mode<synchronous>, transform_indices = @transform_8, window_bounds = array<i64: 1, 64>}, {pipeline_mode = #tpu.pipeline_mode<synchronous>, transform_indices = @transform_9, window_bounds = array<i64: 16, 64>}, {pipeline_mode = #tpu.pipeline_mode<synchronous>, transform_indices = @transform_10, window_bounds = array<i64: 1, 16>}, {pipeline_mode = #tpu.pipeline_mode<synchronous>, transform_indices = @transform_11, window_bounds = array<i64: 512, 16>}, {pipeline_mode = #tpu.pipeline_mode<synchronous>, transform_indices = @transform_12, window_bounds = array<i64: 512, 416>}, {pipeline_mode = #tpu.pipeline_mode<synchronous>, transform_indices = @transform_13, window_bounds = array<i64: 512, 1024>}, {pipeline_mode = #tpu.pipeline_mode<synchronous>, transform_indices = @transform_14, window_bounds = array<i64: 512, 16>}, {pipeline_mode = #tpu.pipeline_mode<synchronous>, transform_indices = @transform_15, window_bounds = array<i64: 512, 1>}, {pipeline_mode = #tpu.pipeline_mode<synchronous>, transform_indices = @transform_16, window_bounds = array<i64: 256, 512>}, {pipeline_mode = #tpu.pipeline_mode<synchronous>, transform_indices = @transform_17, window_bounds = array<i64: 256, 1>}, {pipeline_mode = #tpu.pipeline_mode<synchronous>, transform_indices = @transform_18, window_bounds = array<i64: 1, 256>}, {pipeline_mode = #tpu.pipeline_mode<synchronous>, transform_indices = @transform_19, window_bounds = array<i64: 1, 1>}, {pipeline_mode = #tpu.pipeline_mode<synchronous>, transform_indices = @transform_20, window_bounds = array<i64: 1, 1>}]} {
    %get3A = arith.constant 0 : index
    %get3A_0 = arith.constant 0 : index
    %get3A_1 = vector.load %arg1[%get3A, %get3A_0] : memref<512x13xf32, #tpu.memory_space<vmem>>, vector<512x13xf32>
    %get3A_2 = arith.constant 0 : index
    %get3A_3 = arith.constant 0 : index
    %get3A_4 = vector.load %arg4[%get3A_2, %get3A_3] : memref<512x13xf32, #tpu.memory_space<vmem>>, vector<512x13xf32>
    %dot_general3A = arith.constant dense<0.000000e+00> : vector<512x512xf32>
    %dot_general3A_5 = tpu.matmul %get3A_1, %get3A_4, %dot_general3A {dimension_numbers = #tpu.dot_dimension_numbers<[1], [1], [0], [0], [0, 0, 1, 0], [], []>, transpose_lhs_hint = false} : vector<512x13xf32>, vector<512x13xf32>, vector<512x512xf32> -> vector<512x512xf32>
    %get3A_6 = arith.constant 0 : index
    %get3A_7 = arith.constant 0 : index
    %get3A_8 = vector.load %arg5[%get3A_6, %get3A_7] : memref<1x512xf32, #tpu.memory_space<vmem>>, vector<1x512xf32>
    %add3A = vector.broadcast %get3A_8 : vector<1x512xf32> to vector<512x512xf32>
    %add3A_9 = arith.addf %dot_general3A_5, %add3A : vector<512x512xf32>
    %max3A = arith.constant 0.000000e+00 : f32
    %max3A_10 = vector.broadcast %max3A : f32 to vector<512x512xf32>
    %max3A_11 = arith.maximumf %add3A_9, %max3A_10 : vector<512x512xf32>
    %get3A_12 = arith.constant 0 : index
    %get3A_13 = arith.constant 0 : index
    %get3A_14 = vector.load %arg6[%get3A_12, %get3A_13] : memref<256x512xf32, #tpu.memory_space<vmem>>, vector<256x512xf32>
    %dot_general3A_15 = arith.constant dense<0.000000e+00> : vector<512x256xf32>
    %dot_general3A_16 = tpu.matmul %max3A_11, %get3A_14, %dot_general3A_15 {dimension_numbers = #tpu.dot_dimension_numbers<[1], [1], [0], [0], [0, 0, 1, 0], [], []>, transpose_lhs_hint = false} : vector<512x512xf32>, vector<256x512xf32>, vector<512x256xf32> -> vector<512x256xf32>
    %get3A_17 = arith.constant 0 : index
    %get3A_18 = arith.constant 0 : index
    %get3A_19 = vector.load %arg7[%get3A_17, %get3A_18] : memref<1x256xf32, #tpu.memory_space<vmem>>, vector<1x256xf32>
    %add3A_20 = vector.broadcast %get3A_19 : vector<1x256xf32> to vector<512x256xf32>
    %add3A_21 = arith.addf %dot_general3A_16, %add3A_20 : vector<512x256xf32>
    %max3A_22 = arith.constant 0.000000e+00 : f32
    %max3A_23 = vector.broadcast %max3A_22 : f32 to vector<512x256xf32>
    %max3A_24 = arith.maximumf %add3A_21, %max3A_23 : vector<512x256xf32>
    %get3A_25 = arith.constant 0 : index
    %get3A_26 = arith.constant 0 : index
    %get3A_27 = vector.load %arg8[%get3A_25, %get3A_26] : memref<64x256xf32, #tpu.memory_space<vmem>>, vector<64x256xf32>
    %dot_general3A_28 = arith.constant dense<0.000000e+00> : vector<512x64xf32>
    %dot_general3A_29 = tpu.matmul %max3A_24, %get3A_27, %dot_general3A_28 {dimension_numbers = #tpu.dot_dimension_numbers<[1], [1], [0], [0], [0, 0, 1, 0], [], []>, transpose_lhs_hint = false} : vector<512x256xf32>, vector<64x256xf32>, vector<512x64xf32> -> vector<512x64xf32>
    %get3A_30 = arith.constant 0 : index
    %get3A_31 = arith.constant 0 : index
    %get3A_32 = vector.load %arg9[%get3A_30, %get3A_31] : memref<1x64xf32, #tpu.memory_space<vmem>>, vector<1x64xf32>
    %add3A_33 = vector.broadcast %get3A_32 : vector<1x64xf32> to vector<512x64xf32>
    %add3A_34 = arith.addf %dot_general3A_29, %add3A_33 : vector<512x64xf32>
    %max3A_35 = arith.constant 0.000000e+00 : f32
    %max3A_36 = vector.broadcast %max3A_35 : f32 to vector<512x64xf32>
    %max3A_37 = arith.maximumf %add3A_34, %max3A_36 : vector<512x64xf32>
    %get3A_38 = arith.constant 0 : index
    %get3A_39 = arith.constant 0 : index
    %get3A_40 = vector.load %arg10[%get3A_38, %get3A_39] : memref<16x64xf32, #tpu.memory_space<vmem>>, vector<16x64xf32>
    %dot_general3A_41 = arith.constant dense<0.000000e+00> : vector<512x16xf32>
    %dot_general3A_42 = tpu.matmul %max3A_37, %get3A_40, %dot_general3A_41 {dimension_numbers = #tpu.dot_dimension_numbers<[1], [1], [0], [0], [0, 0, 1, 0], [], []>, transpose_lhs_hint = false} : vector<512x64xf32>, vector<16x64xf32>, vector<512x16xf32> -> vector<512x16xf32>
    %get3A_43 = arith.constant 0 : index
    %get3A_44 = arith.constant 0 : index
    %get3A_45 = vector.load %arg11[%get3A_43, %get3A_44] : memref<1x16xf32, #tpu.memory_space<vmem>>, vector<1x16xf32>
    %add3A_46 = vector.broadcast %get3A_45 : vector<1x16xf32> to vector<512x16xf32>
    %add3A_47 = arith.addf %dot_general3A_42, %add3A_46 : vector<512x16xf32>
    %max3A_48 = arith.constant 0.000000e+00 : f32
    %max3A_49 = vector.broadcast %max3A_48 : f32 to vector<512x16xf32>
    %max3A_50 = arith.maximumf %add3A_47, %max3A_49 : vector<512x16xf32>
    %get3A_51 = arith.constant 0 : index
    %get3A_52 = arith.constant 0 : index
    %get3A_53 = vector.load %arg12[%get3A_51, %get3A_52] : memref<512x16xf32, #tpu.memory_space<vmem>>, vector<512x16xf32>
    %dot_general3A_54 = arith.constant dense<0.000000e+00> : vector<512x512xf32>
    %dot_general3A_55 = tpu.matmul %get3A_53, %max3A_50, %dot_general3A_54 {dimension_numbers = #tpu.dot_dimension_numbers<[1], [1], [0], [0], [0, 0, 1, 0], [], []>, transpose_lhs_hint = false} : vector<512x16xf32>, vector<512x16xf32>, vector<512x512xf32> -> vector<512x512xf32>
    %get3A_56 = arith.constant 0 : index
    %get3A_57 = arith.constant 0 : index
    %get3A_58 = vector.load %arg13[%get3A_56, %get3A_57] : memref<512x416xf32, #tpu.memory_space<vmem>>, vector<512x416xf32>
    %get3A_59 = arith.constant 0 : index
    %get3A_60 = arith.constant 0 : index
    %get3A_61 = vector.load %arg2[%get3A_59, %get3A_60] : memref<416x512xf32, #tpu.memory_space<vmem>>, vector<416x512xf32>
    %dot_general3A_62 = arith.constant dense<0.000000e+00> : vector<512x512xf32>
    %dot_general3A_63 = tpu.matmul %get3A_58, %get3A_61, %dot_general3A_62 {dimension_numbers = #tpu.dot_dimension_numbers<[1], [0], [0], [1], [0, 0, 1, 1], [], []>, transpose_lhs_hint = false} : vector<512x416xf32>, vector<416x512xf32>, vector<512x512xf32> -> vector<512x512xf32>
    %add3A_64 = arith.addf %dot_general3A_55, %dot_general3A_63 : vector<512x512xf32>
    %reshape3A = vector.shape_cast %add3A_64 : vector<512x512xf32> to vector<16x32x512xf32>
    %slice3A = vector.extract_strided_slice %reshape3A {offsets = [0, 0, 0], sizes = [1, 32, 512], strides = [1, 1, 1]} : vector<16x32x512xf32> to vector<1x32x512xf32>
    %squeeze3A = vector.shape_cast %slice3A : vector<1x32x512xf32> to vector<32x512xf32>
    %broadcast_in_dim3A = vector.shape_cast %squeeze3A : vector<32x512xf32> to vector<32x1x512xf32>
    %broadcast_in_dim3A_65 = vector.shape_cast %squeeze3A : vector<32x512xf32> to vector<1x32x512xf32>
    %mul3A = vector.broadcast %broadcast_in_dim3A : vector<32x1x512xf32> to vector<32x32x512xf32>
    %mul3A_66 = vector.broadcast %broadcast_in_dim3A_65 : vector<1x32x512xf32> to vector<32x32x512xf32>
    %mul3A_67 = arith.mulf %mul3A, %mul3A_66 : vector<32x32x512xf32>
    %slice3A_68 = vector.extract_strided_slice %reshape3A {offsets = [1, 0, 0], sizes = [1, 32, 512], strides = [1, 1, 1]} : vector<16x32x512xf32> to vector<1x32x512xf32>
    %squeeze3A_69 = vector.shape_cast %slice3A_68 : vector<1x32x512xf32> to vector<32x512xf32>
    %broadcast_in_dim3A_70 = vector.shape_cast %squeeze3A_69 : vector<32x512xf32> to vector<32x1x512xf32>
    %broadcast_in_dim3A_71 = vector.shape_cast %squeeze3A_69 : vector<32x512xf32> to vector<1x32x512xf32>
    %mul3A_72 = vector.broadcast %broadcast_in_dim3A_70 : vector<32x1x512xf32> to vector<32x32x512xf32>
    %mul3A_73 = vector.broadcast %broadcast_in_dim3A_71 : vector<1x32x512xf32> to vector<32x32x512xf32>
    %mul3A_74 = arith.mulf %mul3A_72, %mul3A_73 : vector<32x32x512xf32>
    %add3A_75 = arith.addf %mul3A_67, %mul3A_74 : vector<32x32x512xf32>
    %slice3A_76 = vector.extract_strided_slice %reshape3A {offsets = [2, 0, 0], sizes = [1, 32, 512], strides = [1, 1, 1]} : vector<16x32x512xf32> to vector<1x32x512xf32>
    %squeeze3A_77 = vector.shape_cast %slice3A_76 : vector<1x32x512xf32> to vector<32x512xf32>
    %broadcast_in_dim3A_78 = vector.shape_cast %squeeze3A_77 : vector<32x512xf32> to vector<32x1x512xf32>
    %broadcast_in_dim3A_79 = vector.shape_cast %squeeze3A_77 : vector<32x512xf32> to vector<1x32x512xf32>
    %mul3A_80 = vector.broadcast %broadcast_in_dim3A_78 : vector<32x1x512xf32> to vector<32x32x512xf32>
    %mul3A_81 = vector.broadcast %broadcast_in_dim3A_79 : vector<1x32x512xf32> to vector<32x32x512xf32>
    %mul3A_82 = arith.mulf %mul3A_80, %mul3A_81 : vector<32x32x512xf32>
    %add3A_83 = arith.addf %add3A_75, %mul3A_82 : vector<32x32x512xf32>
    %slice3A_84 = vector.extract_strided_slice %reshape3A {offsets = [3, 0, 0], sizes = [1, 32, 512], strides = [1, 1, 1]} : vector<16x32x512xf32> to vector<1x32x512xf32>
    %squeeze3A_85 = vector.shape_cast %slice3A_84 : vector<1x32x512xf32> to vector<32x512xf32>
    %broadcast_in_dim3A_86 = vector.shape_cast %squeeze3A_85 : vector<32x512xf32> to vector<32x1x512xf32>
    %broadcast_in_dim3A_87 = vector.shape_cast %squeeze3A_85 : vector<32x512xf32> to vector<1x32x512xf32>
    %mul3A_88 = vector.broadcast %broadcast_in_dim3A_86 : vector<32x1x512xf32> to vector<32x32x512xf32>
    %mul3A_89 = vector.broadcast %broadcast_in_dim3A_87 : vector<1x32x512xf32> to vector<32x32x512xf32>
    %mul3A_90 = arith.mulf %mul3A_88, %mul3A_89 : vector<32x32x512xf32>
    %add3A_91 = arith.addf %add3A_83, %mul3A_90 : vector<32x32x512xf32>
    %slice3A_92 = vector.extract_strided_slice %reshape3A {offsets = [4, 0, 0], sizes = [1, 32, 512], strides = [1, 1, 1]} : vector<16x32x512xf32> to vector<1x32x512xf32>
    %squeeze3A_93 = vector.shape_cast %slice3A_92 : vector<1x32x512xf32> to vector<32x512xf32>
    %broadcast_in_dim3A_94 = vector.shape_cast %squeeze3A_93 : vector<32x512xf32> to vector<32x1x512xf32>
    %broadcast_in_dim3A_95 = vector.shape_cast %squeeze3A_93 : vector<32x512xf32> to vector<1x32x512xf32>
    %mul3A_96 = vector.broadcast %broadcast_in_dim3A_94 : vector<32x1x512xf32> to vector<32x32x512xf32>
    %mul3A_97 = vector.broadcast %broadcast_in_dim3A_95 : vector<1x32x512xf32> to vector<32x32x512xf32>
    %mul3A_98 = arith.mulf %mul3A_96, %mul3A_97 : vector<32x32x512xf32>
    %add3A_99 = arith.addf %add3A_91, %mul3A_98 : vector<32x32x512xf32>
    %slice3A_100 = vector.extract_strided_slice %reshape3A {offsets = [5, 0, 0], sizes = [1, 32, 512], strides = [1, 1, 1]} : vector<16x32x512xf32> to vector<1x32x512xf32>
    %squeeze3A_101 = vector.shape_cast %slice3A_100 : vector<1x32x512xf32> to vector<32x512xf32>
    %broadcast_in_dim3A_102 = vector.shape_cast %squeeze3A_101 : vector<32x512xf32> to vector<32x1x512xf32>
    %broadcast_in_dim3A_103 = vector.shape_cast %squeeze3A_101 : vector<32x512xf32> to vector<1x32x512xf32>
    %mul3A_104 = vector.broadcast %broadcast_in_dim3A_102 : vector<32x1x512xf32> to vector<32x32x512xf32>
    %mul3A_105 = vector.broadcast %broadcast_in_dim3A_103 : vector<1x32x512xf32> to vector<32x32x512xf32>
    %mul3A_106 = arith.mulf %mul3A_104, %mul3A_105 : vector<32x32x512xf32>
    %add3A_107 = arith.addf %add3A_99, %mul3A_106 : vector<32x32x512xf32>
    %slice3A_108 = vector.extract_strided_slice %reshape3A {offsets = [6, 0, 0], sizes = [1, 32, 512], strides = [1, 1, 1]} : vector<16x32x512xf32> to vector<1x32x512xf32>
    %squeeze3A_109 = vector.shape_cast %slice3A_108 : vector<1x32x512xf32> to vector<32x512xf32>
    %broadcast_in_dim3A_110 = vector.shape_cast %squeeze3A_109 : vector<32x512xf32> to vector<32x1x512xf32>
    %broadcast_in_dim3A_111 = vector.shape_cast %squeeze3A_109 : vector<32x512xf32> to vector<1x32x512xf32>
    %mul3A_112 = vector.broadcast %broadcast_in_dim3A_110 : vector<32x1x512xf32> to vector<32x32x512xf32>
    %mul3A_113 = vector.broadcast %broadcast_in_dim3A_111 : vector<1x32x512xf32> to vector<32x32x512xf32>
    %mul3A_114 = arith.mulf %mul3A_112, %mul3A_113 : vector<32x32x512xf32>
    %add3A_115 = arith.addf %add3A_107, %mul3A_114 : vector<32x32x512xf32>
    %slice3A_116 = vector.extract_strided_slice %reshape3A {offsets = [7, 0, 0], sizes = [1, 32, 512], strides = [1, 1, 1]} : vector<16x32x512xf32> to vector<1x32x512xf32>
    %squeeze3A_117 = vector.shape_cast %slice3A_116 : vector<1x32x512xf32> to vector<32x512xf32>
    %broadcast_in_dim3A_118 = vector.shape_cast %squeeze3A_117 : vector<32x512xf32> to vector<32x1x512xf32>
    %broadcast_in_dim3A_119 = vector.shape_cast %squeeze3A_117 : vector<32x512xf32> to vector<1x32x512xf32>
    %mul3A_120 = vector.broadcast %broadcast_in_dim3A_118 : vector<32x1x512xf32> to vector<32x32x512xf32>
    %mul3A_121 = vector.broadcast %broadcast_in_dim3A_119 : vector<1x32x512xf32> to vector<32x32x512xf32>
    %mul3A_122 = arith.mulf %mul3A_120, %mul3A_121 : vector<32x32x512xf32>
    %add3A_123 = arith.addf %add3A_115, %mul3A_122 : vector<32x32x512xf32>
    %slice3A_124 = vector.extract_strided_slice %reshape3A {offsets = [8, 0, 0], sizes = [1, 32, 512], strides = [1, 1, 1]} : vector<16x32x512xf32> to vector<1x32x512xf32>
    %squeeze3A_125 = vector.shape_cast %slice3A_124 : vector<1x32x512xf32> to vector<32x512xf32>
    %broadcast_in_dim3A_126 = vector.shape_cast %squeeze3A_125 : vector<32x512xf32> to vector<32x1x512xf32>
    %broadcast_in_dim3A_127 = vector.shape_cast %squeeze3A_125 : vector<32x512xf32> to vector<1x32x512xf32>
    %mul3A_128 = vector.broadcast %broadcast_in_dim3A_126 : vector<32x1x512xf32> to vector<32x32x512xf32>
    %mul3A_129 = vector.broadcast %broadcast_in_dim3A_127 : vector<1x32x512xf32> to vector<32x32x512xf32>
    %mul3A_130 = arith.mulf %mul3A_128, %mul3A_129 : vector<32x32x512xf32>
    %add3A_131 = arith.addf %add3A_123, %mul3A_130 : vector<32x32x512xf32>
    %slice3A_132 = vector.extract_strided_slice %reshape3A {offsets = [9, 0, 0], sizes = [1, 32, 512], strides = [1, 1, 1]} : vector<16x32x512xf32> to vector<1x32x512xf32>
    %squeeze3A_133 = vector.shape_cast %slice3A_132 : vector<1x32x512xf32> to vector<32x512xf32>
    %broadcast_in_dim3A_134 = vector.shape_cast %squeeze3A_133 : vector<32x512xf32> to vector<32x1x512xf32>
    %broadcast_in_dim3A_135 = vector.shape_cast %squeeze3A_133 : vector<32x512xf32> to vector<1x32x512xf32>
    %mul3A_136 = vector.broadcast %broadcast_in_dim3A_134 : vector<32x1x512xf32> to vector<32x32x512xf32>
    %mul3A_137 = vector.broadcast %broadcast_in_dim3A_135 : vector<1x32x512xf32> to vector<32x32x512xf32>
    %mul3A_138 = arith.mulf %mul3A_136, %mul3A_137 : vector<32x32x512xf32>
    %add3A_139 = arith.addf %add3A_131, %mul3A_138 : vector<32x32x512xf32>
    %slice3A_140 = vector.extract_strided_slice %reshape3A {offsets = [10, 0, 0], sizes = [1, 32, 512], strides = [1, 1, 1]} : vector<16x32x512xf32> to vector<1x32x512xf32>
    %squeeze3A_141 = vector.shape_cast %slice3A_140 : vector<1x32x512xf32> to vector<32x512xf32>
    %broadcast_in_dim3A_142 = vector.shape_cast %squeeze3A_141 : vector<32x512xf32> to vector<32x1x512xf32>
    %broadcast_in_dim3A_143 = vector.shape_cast %squeeze3A_141 : vector<32x512xf32> to vector<1x32x512xf32>
    %mul3A_144 = vector.broadcast %broadcast_in_dim3A_142 : vector<32x1x512xf32> to vector<32x32x512xf32>
    %mul3A_145 = vector.broadcast %broadcast_in_dim3A_143 : vector<1x32x512xf32> to vector<32x32x512xf32>
    %mul3A_146 = arith.mulf %mul3A_144, %mul3A_145 : vector<32x32x512xf32>
    %add3A_147 = arith.addf %add3A_139, %mul3A_146 : vector<32x32x512xf32>
    %slice3A_148 = vector.extract_strided_slice %reshape3A {offsets = [11, 0, 0], sizes = [1, 32, 512], strides = [1, 1, 1]} : vector<16x32x512xf32> to vector<1x32x512xf32>
    %squeeze3A_149 = vector.shape_cast %slice3A_148 : vector<1x32x512xf32> to vector<32x512xf32>
    %broadcast_in_dim3A_150 = vector.shape_cast %squeeze3A_149 : vector<32x512xf32> to vector<32x1x512xf32>
    %broadcast_in_dim3A_151 = vector.shape_cast %squeeze3A_149 : vector<32x512xf32> to vector<1x32x512xf32>
    %mul3A_152 = vector.broadcast %broadcast_in_dim3A_150 : vector<32x1x512xf32> to vector<32x32x512xf32>
    %mul3A_153 = vector.broadcast %broadcast_in_dim3A_151 : vector<1x32x512xf32> to vector<32x32x512xf32>
    %mul3A_154 = arith.mulf %mul3A_152, %mul3A_153 : vector<32x32x512xf32>
    %add3A_155 = arith.addf %add3A_147, %mul3A_154 : vector<32x32x512xf32>
    %slice3A_156 = vector.extract_strided_slice %reshape3A {offsets = [12, 0, 0], sizes = [1, 32, 512], strides = [1, 1, 1]} : vector<16x32x512xf32> to vector<1x32x512xf32>
    %squeeze3A_157 = vector.shape_cast %slice3A_156 : vector<1x32x512xf32> to vector<32x512xf32>
    %broadcast_in_dim3A_158 = vector.shape_cast %squeeze3A_157 : vector<32x512xf32> to vector<32x1x512xf32>
    %broadcast_in_dim3A_159 = vector.shape_cast %squeeze3A_157 : vector<32x512xf32> to vector<1x32x512xf32>
    %mul3A_160 = vector.broadcast %broadcast_in_dim3A_158 : vector<32x1x512xf32> to vector<32x32x512xf32>
    %mul3A_161 = vector.broadcast %broadcast_in_dim3A_159 : vector<1x32x512xf32> to vector<32x32x512xf32>
    %mul3A_162 = arith.mulf %mul3A_160, %mul3A_161 : vector<32x32x512xf32>
    %add3A_163 = arith.addf %add3A_155, %mul3A_162 : vector<32x32x512xf32>
    %slice3A_164 = vector.extract_strided_slice %reshape3A {offsets = [13, 0, 0], sizes = [1, 32, 512], strides = [1, 1, 1]} : vector<16x32x512xf32> to vector<1x32x512xf32>
    %squeeze3A_165 = vector.shape_cast %slice3A_164 : vector<1x32x512xf32> to vector<32x512xf32>
    %broadcast_in_dim3A_166 = vector.shape_cast %squeeze3A_165 : vector<32x512xf32> to vector<32x1x512xf32>
    %broadcast_in_dim3A_167 = vector.shape_cast %squeeze3A_165 : vector<32x512xf32> to vector<1x32x512xf32>
    %mul3A_168 = vector.broadcast %broadcast_in_dim3A_166 : vector<32x1x512xf32> to vector<32x32x512xf32>
    %mul3A_169 = vector.broadcast %broadcast_in_dim3A_167 : vector<1x32x512xf32> to vector<32x32x512xf32>
    %mul3A_170 = arith.mulf %mul3A_168, %mul3A_169 : vector<32x32x512xf32>
    %add3A_171 = arith.addf %add3A_163, %mul3A_170 : vector<32x32x512xf32>
    %slice3A_172 = vector.extract_strided_slice %reshape3A {offsets = [14, 0, 0], sizes = [1, 32, 512], strides = [1, 1, 1]} : vector<16x32x512xf32> to vector<1x32x512xf32>
    %squeeze3A_173 = vector.shape_cast %slice3A_172 : vector<1x32x512xf32> to vector<32x512xf32>
    %broadcast_in_dim3A_174 = vector.shape_cast %squeeze3A_173 : vector<32x512xf32> to vector<32x1x512xf32>
    %broadcast_in_dim3A_175 = vector.shape_cast %squeeze3A_173 : vector<32x512xf32> to vector<1x32x512xf32>
    %mul3A_176 = vector.broadcast %broadcast_in_dim3A_174 : vector<32x1x512xf32> to vector<32x32x512xf32>
    %mul3A_177 = vector.broadcast %broadcast_in_dim3A_175 : vector<1x32x512xf32> to vector<32x32x512xf32>
    %mul3A_178 = arith.mulf %mul3A_176, %mul3A_177 : vector<32x32x512xf32>
    %add3A_179 = arith.addf %add3A_171, %mul3A_178 : vector<32x32x512xf32>
    %slice3A_180 = vector.extract_strided_slice %reshape3A {offsets = [15, 0, 0], sizes = [1, 32, 512], strides = [1, 1, 1]} : vector<16x32x512xf32> to vector<1x32x512xf32>
    %squeeze3A_181 = vector.shape_cast %slice3A_180 : vector<1x32x512xf32> to vector<32x512xf32>
    %broadcast_in_dim3A_182 = vector.shape_cast %squeeze3A_181 : vector<32x512xf32> to vector<32x1x512xf32>
    %broadcast_in_dim3A_183 = vector.shape_cast %squeeze3A_181 : vector<32x512xf32> to vector<1x32x512xf32>
    %mul3A_184 = vector.broadcast %broadcast_in_dim3A_182 : vector<32x1x512xf32> to vector<32x32x512xf32>
    %mul3A_185 = vector.broadcast %broadcast_in_dim3A_183 : vector<1x32x512xf32> to vector<32x32x512xf32>
    %mul3A_186 = arith.mulf %mul3A_184, %mul3A_185 : vector<32x32x512xf32>
    %add3A_187 = arith.addf %add3A_179, %mul3A_186 : vector<32x32x512xf32>
    %reshape3A_188 = vector.shape_cast %add3A_187 : vector<32x32x512xf32> to vector<1024x512xf32>
    %get3A_189 = arith.constant 0 : index
    %get3A_190 = arith.constant 0 : index
    %get3A_191 = vector.load %arg15[%get3A_189, %get3A_190] : memref<512x16xf32, #tpu.memory_space<vmem>>, vector<512x16xf32>
    %dot_general3A_192 = arith.constant dense<0.000000e+00> : vector<512x512xf32>
    %dot_general3A_193 = tpu.matmul %get3A_191, %max3A_50, %dot_general3A_192 {dimension_numbers = #tpu.dot_dimension_numbers<[1], [1], [0], [0], [0, 0, 1, 0], [], []>, transpose_lhs_hint = false} : vector<512x16xf32>, vector<512x16xf32>, vector<512x512xf32> -> vector<512x512xf32>
    %get3A_194 = arith.constant 0 : index
    %get3A_195 = arith.constant 0 : index
    %get3A_196 = vector.load %arg14[%get3A_194, %get3A_195] : memref<512x1024xf32, #tpu.memory_space<vmem>>, vector<512x1024xf32>
    %dot_general3A_197 = arith.constant dense<0.000000e+00> : vector<512x512xf32>
    %dot_general3A_198 = tpu.matmul %get3A_196, %reshape3A_188, %dot_general3A_197 {dimension_numbers = #tpu.dot_dimension_numbers<[1], [0], [0], [1], [0, 0, 1, 1], [], []>, transpose_lhs_hint = false} : vector<512x1024xf32>, vector<1024x512xf32>, vector<512x512xf32> -> vector<512x512xf32>
    %add3A_199 = arith.addf %dot_general3A_193, %dot_general3A_198 : vector<512x512xf32>
    %get3A_200 = arith.constant 0 : index
    %get3A_201 = arith.constant 0 : index
    %get3A_202 = vector.load %arg16[%get3A_200, %get3A_201] : memref<512x1xf32, #tpu.memory_space<vmem>>, vector<512x1xf32>
    %add3A_203 = vector.broadcast %get3A_202 : vector<512x1xf32> to vector<512x512xf32>
    %add3A_204 = arith.addf %add3A_199, %add3A_203 : vector<512x512xf32>
    %max3A_205 = arith.constant 0.000000e+00 : f32
    %max3A_206 = vector.broadcast %max3A_205 : f32 to vector<512x512xf32>
    %max3A_207 = arith.maximumf %add3A_204, %max3A_206 : vector<512x512xf32>
    %get3A_208 = arith.constant 0 : index
    %get3A_209 = arith.constant 0 : index
    %get3A_210 = vector.load %arg17[%get3A_208, %get3A_209] : memref<256x512xf32, #tpu.memory_space<vmem>>, vector<256x512xf32>
    %dot_general3A_211 = arith.constant dense<0.000000e+00> : vector<256x512xf32>
    %dot_general3A_212 = tpu.matmul %get3A_210, %max3A_207, %dot_general3A_211 {dimension_numbers = #tpu.dot_dimension_numbers<[1], [0], [0], [1], [0, 0, 1, 1], [], []>, transpose_lhs_hint = false} : vector<256x512xf32>, vector<512x512xf32>, vector<256x512xf32> -> vector<256x512xf32>
    %get3A_213 = arith.constant 0 : index
    %get3A_214 = arith.constant 0 : index
    %get3A_215 = vector.load %arg18[%get3A_213, %get3A_214] : memref<256x1xf32, #tpu.memory_space<vmem>>, vector<256x1xf32>
    %add3A_216 = vector.broadcast %get3A_215 : vector<256x1xf32> to vector<256x512xf32>
    %add3A_217 = arith.addf %dot_general3A_212, %add3A_216 : vector<256x512xf32>
    %max3A_218 = arith.constant 0.000000e+00 : f32
    %max3A_219 = vector.broadcast %max3A_218 : f32 to vector<256x512xf32>
    %max3A_220 = arith.maximumf %add3A_217, %max3A_219 : vector<256x512xf32>
    %get3A_221 = arith.constant 0 : index
    %get3A_222 = arith.constant 0 : index
    %get3A_223 = vector.load %arg19[%get3A_221, %get3A_222] : memref<1x256xf32, #tpu.memory_space<vmem>>, vector<1x256xf32>
    %dot_general3A_224 = arith.constant dense<0.000000e+00> : vector<1x512xf32>
    %dot_general3A_225 = tpu.matmul %get3A_223, %max3A_220, %dot_general3A_224 {dimension_numbers = #tpu.dot_dimension_numbers<[1], [0], [0], [1], [0, 0, 1, 1], [], []>, transpose_lhs_hint = false} : vector<1x256xf32>, vector<256x512xf32>, vector<1x512xf32> -> vector<1x512xf32>
    %get3A_226 = arith.constant 0 : index
    %get3A_227 = arith.constant 0 : index
    %get3A_228 = vector.load %arg20[%get3A_226, %get3A_227] : memref<1x1xf32, #tpu.memory_space<vmem>>, vector<1x1xf32>
    %add3A_229 = vector.broadcast %get3A_228 : vector<1x1xf32> to vector<1x512xf32>
    %add3A_230 = arith.addf %dot_general3A_225, %add3A_229 : vector<1x512xf32>
    %logistic3A = arith.negf %add3A_230 : vector<1x512xf32>
    %logistic3A_231 = math.exp %logistic3A : vector<1x512xf32>
    %logistic3A_232 = arith.constant 1.000000e+00 : f32
    %logistic3A_233 = vector.broadcast %logistic3A_232 : f32 to vector<1x512xf32>
    %logistic3A_234 = arith.addf %logistic3A_233, %logistic3A_231 : vector<1x512xf32>
    %logistic3A_235 = arith.divf %logistic3A_233, %logistic3A_234 : vector<1x512xf32>
    %get3A_236 = arith.constant 0 : index
    %get3A_237 = arith.constant 0 : index
    %get3A_238 = arith.constant 0 : index
    %get3A_239 = vector.load %arg3[%get3A_236, %get3A_237, %get3A_238] : memref<1x1x512xf32, #tpu.memory_space<vmem>>, vector<1x1x512xf32>
    %get3A_240 = vector.shape_cast %get3A_239 : vector<1x1x512xf32> to vector<1x512xf32>
    %jit3A = arith.constant 9.99999996E-13 : f32
    %jit3A_241 = arith.constant 1.000000e+00 : f32
    %max3A_242 = vector.broadcast %jit3A : f32 to vector<1x512xf32>
    %max3A_243 = arith.maximumf %max3A_242, %logistic3A_235 : vector<1x512xf32>
    %min3A = vector.broadcast %jit3A_241 : f32 to vector<1x512xf32>
    %min3A_244 = arith.minimumf %min3A, %max3A_243 : vector<1x512xf32>
    %log3A = math.log %min3A_244 : vector<1x512xf32>
    %mul3A_245 = arith.mulf %get3A_240, %log3A : vector<1x512xf32>
    %sub3A = arith.constant 1.000000e+00 : f32
    %sub3A_246 = vector.broadcast %sub3A : f32 to vector<1x512xf32>
    %sub3A_247 = arith.subf %sub3A_246, %get3A_240 : vector<1x512xf32>
    %sub3A_248 = arith.constant 1.000000e+00 : f32
    %sub3A_249 = vector.broadcast %sub3A_248 : f32 to vector<1x512xf32>
    %sub3A_250 = arith.subf %sub3A_249, %logistic3A_235 : vector<1x512xf32>
    %jit3A_251 = arith.constant 9.99999996E-13 : f32
    %jit3A_252 = arith.constant 1.000000e+00 : f32
    %max3A_253 = vector.broadcast %jit3A_251 : f32 to vector<1x512xf32>
    %max3A_254 = arith.maximumf %max3A_253, %sub3A_250 : vector<1x512xf32>
    %min3A_255 = vector.broadcast %jit3A_252 : f32 to vector<1x512xf32>
    %min3A_256 = arith.minimumf %min3A_255, %max3A_254 : vector<1x512xf32>
    %log3A_257 = math.log %min3A_256 : vector<1x512xf32>
    %mul3A_258 = arith.mulf %sub3A_247, %log3A_257 : vector<1x512xf32>
    %add3A_259 = arith.addf %mul3A_245, %mul3A_258 : vector<1x512xf32>
    %reduce_sum3A = arith.constant dense<0.000000e+00> : vector<1xf32>
    %reduce_sum3A_260 = vector.multi_reduction <add>, %add3A_259, %reduce_sum3A [1] : vector<1x512xf32> to vector<1xf32>
    %broadcast_in_dim3A_261 = vector.shape_cast %reduce_sum3A_260 : vector<1xf32> to vector<1x1xf32>
    %mul3A_262 = arith.constant -2.44140625E-4 : f32
    %mul3A_263 = vector.broadcast %mul3A_262 : f32 to vector<1x1xf32>
    %mul3A_264 = arith.mulf %broadcast_in_dim3A_261, %mul3A_263 : vector<1x1xf32>
    %eq3A = arith.constant 0 : i32
    %eq3A_265 = arith.cmpi eq, %arg0, %eq3A : i32
    %convert_element_type3A = arith.extui %eq3A_265 : i1 to i32
    %cond3A = arith.constant 0 : i32
    %cond3A_266 = arith.cmpi ne, %convert_element_type3A, %cond3A : i32
    scf.if %cond3A_266 {
      %broadcast_in_dim3A_273 = arith.constant 0.000000e+00 : f32
      %broadcast_in_dim3A_274 = vector.broadcast %broadcast_in_dim3A_273 : f32 to vector<1x1xf32>
      %swap3A_275 = arith.constant 0 : index
      %swap3A_276 = arith.constant 0 : index
      %swap3A_277 = vector.load %arg21[%swap3A_275, %swap3A_276] : memref<1x1xf32, #tpu.memory_space<vmem>>, vector<1x1xf32>
      tpu.vector_store %arg21[%swap3A_275, %swap3A_276], %broadcast_in_dim3A_274 {strides = array<i32>} : memref<1x1xf32, #tpu.memory_space<vmem>>, vector<1x1xf32>,
    } else {
    }
    %get3A_267 = arith.constant 0 : index
    %get3A_268 = arith.constant 0 : index
    %get3A_269 = vector.load %arg21[%get3A_267, %get3A_268] : memref<1x1xf32, #tpu.memory_space<vmem>>, vector<1x1xf32>
    %add3A_270 = arith.addf %get3A_269, %mul3A_264 : vector<1x1xf32>
    %swap3A = arith.constant 0 : index
    %swap3A_271 = arith.constant 0 : index
    %swap3A_272 = vector.load %arg21[%swap3A, %swap3A_271] : memref<1x1xf32, #tpu.memory_space<vmem>>, vector<1x1xf32>
    tpu.vector_store %arg21[%swap3A, %swap3A_271], %add3A_270 {strides = array<i32>} : memref<1x1xf32, #tpu.memory_space<vmem>>, vector<1x1xf32>,
    return
  }
  func.func @transform_0(%arg0: i32) -> (i32, i32) {
    %c0_i32 = arith.constant 0 : i32
    %c0_i32_0 = arith.constant 0 : i32
    return %arg0, %c0_i32 : i32, i32
  }
  func.func @transform_1(%arg0: i32) -> (i32, i32) {
    %c0_i32 = arith.constant 0 : i32
    %c0_i32_0 = arith.constant 0 : i32
    return %c0_i32, %arg0 : i32, i32
  }
  func.func @transform_2(%arg0: i32) -> (i32, i32, i32) {
    %c0_i32 = arith.constant 0 : i32
    %c0_i32_0 = arith.constant 0 : i32
    %c0_i32_1 = arith.constant 0 : i32
    return %arg0, %c0_i32, %c0_i32_0 : i32, i32, i32
  }
  func.func @transform_3(%arg0: i32) -> (i32, i32) {
    %c0_i32 = arith.constant 0 : i32
    %c0_i32_0 = arith.constant 0 : i32
    %c0_i32_1 = arith.constant 0 : i32
    return %c0_i32, %c0_i32_0 : i32, i32
  }
  func.func @transform_4(%arg0: i32) -> (i32, i32) {
    %c0_i32 = arith.constant 0 : i32
    %c0_i32_0 = arith.constant 0 : i32
    %c0_i32_1 = arith.constant 0 : i32
    return %c0_i32, %c0_i32_0 : i32, i32
  }
  func.func @transform_5(%arg0: i32) -> (i32, i32) {
    %c0_i32 = arith.constant 0 : i32
    %c0_i32_0 = arith.constant 0 : i32
    %c0_i32_1 = arith.constant 0 : i32
    return %c0_i32, %c0_i32_0 : i32, i32
  }
  func.func @transform_6(%arg0: i32) -> (i32, i32) {
    %c0_i32 = arith.constant 0 : i32
    %c0_i32_0 = arith.constant 0 : i32
    %c0_i32_1 = arith.constant 0 : i32
    return %c0_i32, %c0_i32_0 : i32, i32
  }
  func.func @transform_7(%arg0: i32) -> (i32, i32) {
    %c0_i32 = arith.constant 0 : i32
    %c0_i32_0 = arith.constant 0 : i32
    %c0_i32_1 = arith.constant 0 : i32
    return %c0_i32, %c0_i32_0 : i32, i32
  }
  func.func @transform_8(%arg0: i32) -> (i32, i32) {
    %c0_i32 = arith.constant 0 : i32
    %c0_i32_0 = arith.constant 0 : i32
    %c0_i32_1 = arith.constant 0 : i32
    return %c0_i32, %c0_i32_0 : i32, i32
  }
  func.func @transform_9(%arg0: i32) -> (i32, i32) {
    %c0_i32 = arith.constant 0 : i32
    %c0_i32_0 = arith.constant 0 : i32
    %c0_i32_1 = arith.constant 0 : i32
    return %c0_i32, %c0_i32_0 : i32, i32
  }
  func.func @transform_10(%arg0: i32) -> (i32, i32) {
    %c0_i32 = arith.constant 0 : i32
    %c0_i32_0 = arith.constant 0 : i32
    %c0_i32_1 = arith.constant 0 : i32
    return %c0_i32, %c0_i32_0 : i32, i32
  }
  func.func @transform_11(%arg0: i32) -> (i32, i32) {
    %c0_i32 = arith.constant 0 : i32
    %c0_i32_0 = arith.constant 0 : i32
    %c0_i32_1 = arith.constant 0 : i32
    return %c0_i32, %c0_i32_0 : i32, i32
  }
  func.func @transform_12(%arg0: i32) -> (i32, i32) {
    %c0_i32 = arith.constant 0 : i32
    %c0_i32_0 = arith.constant 0 : i32
    %c0_i32_1 = arith.constant 0 : i32
    return %c0_i32, %c0_i32_0 : i32, i32
  }
  func.func @transform_13(%arg0: i32) -> (i32, i32) {
    %c0_i32 = arith.constant 0 : i32
    %c0_i32_0 = arith.constant 0 : i32
    %c0_i32_1 = arith.constant 0 : i32
    return %c0_i32, %c0_i32_0 : i32, i32
  }
  func.func @transform_14(%arg0: i32) -> (i32, i32) {
    %c0_i32 = arith.constant 0 : i32
    %c0_i32_0 = arith.constant 0 : i32
    %c0_i32_1 = arith.constant 0 : i32
    return %c0_i32, %c0_i32_0 : i32, i32
  }
  func.func @transform_15(%arg0: i32) -> (i32, i32) {
    %c0_i32 = arith.constant 0 : i32
    %c0_i32_0 = arith.constant 0 : i32
    %c0_i32_1 = arith.constant 0 : i32
    return %c0_i32, %c0_i32_0 : i32, i32
  }
  func.func @transform_16(%arg0: i32) -> (i32, i32) {
    %c0_i32 = arith.constant 0 : i32
    %c0_i32_0 = arith.constant 0 : i32
    %c0_i32_1 = arith.constant 0 : i32
    return %c0_i32, %c0_i32_0 : i32, i32
  }
  func.func @transform_17(%arg0: i32) -> (i32, i32) {
    %c0_i32 = arith.constant 0 : i32
    %c0_i32_0 = arith.constant 0 : i32
    %c0_i32_1 = arith.constant 0 : i32
    return %c0_i32, %c0_i32_0 : i32, i32
  }
  func.func @transform_18(%arg0: i32) -> (i32, i32) {
    %c0_i32 = arith.constant 0 : i32
    %c0_i32_0 = arith.constant 0 : i32
    %c0_i32_1 = arith.constant 0 : i32
    return %c0_i32, %c0_i32_0 : i32, i32
  }
  func.func @transform_19(%arg0: i32) -> (i32, i32) {
    %c0_i32 = arith.constant 0 : i32
    %c0_i32_0 = arith.constant 0 : i32
    %c0_i32_1 = arith.constant 0 : i32
    return %c0_i32, %c0_i32_0 : i32, i32
  }
  func.func @transform_20(%arg0: i32) -> (i32, i32) {
    %c0_i32 = arith.constant 0 : i32
    %c0_i32_0 = arith.constant 0 : i32
    %c0_i32_1 = arith.constant 0 : i32
    return %c0_i32, %c0_i32_0 : i32, i32
  }
}

</mosaic_0001>

<sc_bundles>
// kernel: kernel.4.cloned.1.call-start
scs
__scs_entry_jumppad:
0x0: {  	(pc) =	sbr.rel $0x88, $3  }
0x1: {  	(tag) =	ssettag $0x0;
	lr =	simm.s32 $0x1  }
0x2: {  	[smem:$0x3F8F] =	sst lr;
	_ =	strace $0xD0000000  }
0x3: {  	_ = 	snop  }
0x4: {  	_ = 	snop  }
0x5: {  	_ = 	snop  }
0x6: {  	_ = 	snop  }
0x7: {  	_ = 	snop  }
__scs_overlays_trampoline_lowered:
0x8: {  	[smem:$0x3F9E] =	sst s0  }
0x9: {  	[smem:$0x3F9F] =	sst s1  }
0xa: {  	[smem:$0x3FA0] =	sst s2  }
0xb: {  	[smem:$0x3FA1] =	sst s3  }
0xc: {  	[smem:$0x3FA2] =	sst s4  }
0xd: {  	[smem:$0x3FA3] =	sst s5  }
0xe: {  	[smem:$0x3FA4] =	sst s6  }
0xf: {  	[smem:$0x3FA5] =	sst s7  }
0x10: {  	[smem:$0x3FA6] =	sst s8  }
0x11: {  	[smem:$0x3FA7] =	sst s9;
	s0 =	simm.s32 @!p0 $0x0  }
0x12: {  	s1 =	sld [smem:$0x3F8D];
	s0 =	simm.s32 @p0 $0x1  }
0x13: {  	[smem:$0x3FA8] =	sst s0;
	s0 =	simm.s32 @!p1 $0x0  }
0x14: {  	s2 =	sld [smem:$0x3F8C];
	s0 =	simm.s32 @p1 $0x1  }
0x15: {  	[smem:$0x3FA9] =	sst s0;
	s0 =	simm.s32 @!p2 $0x0  }
0x16: {  	s3 =	sld [smem:$0x3FDB];
	s0 =	simm.s32 @p2 $0x1  }
0x17: {  	s4 =	simm.s32 $0x1BF5;
	[smem:$0x3FAB] =	sst s0  }
0x18: {  	s0 =	sld [smem:$0x3F8E];
	_ =	swait.ge [sflag:s4], $0x0  }
0x19: {  	s7 =	sld [smem:$0x3F8F]  }
0x1a: {  	s8 =	sadd.s32 $0xFFFFE003, lr  }
0x1b: {  	s9 =	sadd.s32 $0xFFFFFEF7, lr;
	s5 =	simm.s32 $0xFFFFFFFF;
	p2 =	slt.u32 s8, $0xFFFFF086  }
0x1c: {  	p1 =	slt.u32 s9, $0xF7A;
	s5 =	simm.s32 @!p2 $0x0  }
0x1d: {  	s5 =	simm.s32 @p1 $0x1;
	p0 =	seq.s32 s7, s2  }
0x1e: {  	s7 =	smul.u32 @!p0 $0xF7A, s2;
	p2 =	seq.s32 @!p0 s5, $0x0  }
0x1f: {  	s9 =	smul.u32 $0xF7A, s1;
	s8 =	simm.s32 @!p0 $0x1BF5;
	p2 =	por !p2, p0  }
0x20: {  	[sflag:s8] =	ssyncset.s32 @!p0 $0xFFFFF086;
	s6 =	sadd.s32 @!p0 s3, s7;
	s7 =	simm.s32 @!p0 $0x108  }
0x21: {  	s3 =	sadd.s32 s3, s9;
	s6 =	sadd.s32 @!p0 $0x88, s6;
	s7 =	simm.s32 @p2 $0x1082  }
0x22: {  	[simem:s7], [sflag:s8] =	dma.local @!p0 [hbm:s6], $0xF7A  }
0x23: {  	s9 =	sor.u32 $0xD0000000, s2;
	s6 =	simm.s32 $0x108;
	_ =	swait.ge @!p0 [sflag:s8], $0x0  }
0x24: {  	s3 =	sadd.s32 $0x88, s3;
	s6 =	simm.s32 @!p1 $0x1082;
	[sflag:s4] =	ssyncset.s32 $0xFFFFF086  }
0x25: {  	[simem:s6], [sflag:s4] =	dma.local [hbm:s3], $0xF7A  }
0x26: {  	[smem:$0x3F8F] =	sst s1;
	(tag) =	ssettag s2;
	_ =	strace s9  }
0x27: {  	s1 =	sld [smem:$0x3F9F]  }
0x28: {  	s2 =	sld [smem:$0x3FA0]  }
0x29: {  	s4 =	sld [smem:$0x3FA2]  }
0x2a: {  	p0 =	seq.s32 s5, $0x0;
	s5 =	sld [smem:$0x3FA3]  }
0x2b: {  	s6 =	sld [smem:$0x3FA4]  }
0x2c: {  	s7 =	sld [smem:$0x3FA5]  }
0x2d: {  	s3 =	simm.s32 $0x108;
	s8 =	sld [smem:$0x3FA6]  }
0x2e: {  	s3 =	simm.s32 @!p0 $0x1082;
	s9 =	sld [smem:$0x3FA7]  }
0x2f: {  	lr =	sadd.s32 s0, s3;
	s0 =	sld [smem:$0x3F9E]  }
0x30: {  	s3 =	sld [smem:$0x3FA1]  }
0x31: {  	[smem:$0x3FAA] =	sst s10  }
0x32: {  	s10 =	sld [smem:$0x3FA8];
	_ =	sdelay $0x3  }
0x33: {  	p0 =	seq.s32 s10, $0x1;
	s10 =	sld [smem:$0x3FAA];
	_ =	sdelay $0x3  }
0x34: {  	[smem:$0x3FAA] =	sst s10  }
0x35: {  	s10 =	sld [smem:$0x3FA9];
	_ =	sdelay $0x3  }
0x36: {  	p1 =	seq.s32 s10, $0x1;
	s10 =	sld [smem:$0x3FAA];
	_ =	sdelay $0x3  }
0x37: {  	[smem:$0x3FAA] =	sst s10  }
0x38: {  	s10 =	sld [smem:$0x3FAB]  }
0x39: {  	_ = 	snop;
	(pc) =	sbr.ind lr, $3  }
0x3a: {  	_ = 	snop  }
0x3b: {  	_ = 	snop  }
0x3c: {  	p2 =	seq.s32 s10, $0x1;
	s10 =	sld [smem:$0x3FAA]  }
0x3d: {  	_ =	shalt  }
0x3e: {  	_ =	shalt  }
0x3f: {  	_ =	shalt  }
0x40: {  	_ =	shalt  }
0x41: {  	_ =	shalt  }
0x42: {  	_ =	shalt  }
0x43: {  	_ =	shalt  }
0x44: {  	_ =	shalt  }
0x45: {  	_ =	shalt  }
0x46: {  	_ =	shalt  }
0x47: {  	_ =	shalt  }
0x48: {  	_ =	shalt  }
0x49: {  	_ =	shalt  }
0x4a: {  	_ =	shalt  }
0x4b: {  	_ =	shalt  }
0x4c: {  	_ =	shalt  }
0x4d: {  	_ =	shalt  }
0x4e: {  	_ =	shalt  }
0x4f: {  	_ =	shalt  }
0x50: {  	_ =	shalt  }
0x51: {  	_ =	shalt  }
0x52: {  	_ =	shalt  }
0x53: {  	_ =	shalt  }
0x54: {  	_ =	shalt  }
0x55: {  	_ =	shalt  }
0x56: {  	_ =	shalt  }
0x57: {  	_ =	shalt  }
0x58: {  	_ =	shalt  }
0x59: {  	_ =	shalt  }
0x5a: {  	_ =	shalt  }
0x5b: {  	_ =	shalt  }
0x5c: {  	_ =	shalt  }
0x5d: {  	_ =	shalt  }
0x5e: {  	_ =	shalt  }
0x5f: {  	_ =	shalt  }
0x60: {  	_ =	shalt  }
0x61: {  	_ =	shalt  }
0x62: {  	_ =	shalt  }
0x63: {  	_ =	shalt  }
0x64: {  	_ =	shalt  }
0x65: {  	_ =	shalt  }
0x66: {  	_ =	shalt  }
0x67: {  	_ =	shalt  }
0x68: {  	_ =	shalt  }
0x69: {  	_ =	shalt  }
0x6a: {  	_ =	shalt  }
0x6b: {  	_ =	shalt  }
0x6c: {  	_ =	shalt  }
0x6d: {  	_ =	shalt  }
0x6e: {  	_ =	shalt  }
0x6f: {  	_ =	shalt  }
0x70: {  	_ =	shalt  }
0x71: {  	_ =	shalt  }
0x72: {  	_ =	shalt  }
0x73: {  	_ =	shalt  }
0x74: {  	_ =	shalt  }
0x75: {  	_ =	shalt  }
0x76: {  	_ =	shalt  }
0x77: {  	_ =	shalt  }
0x78: {  	_ =	shalt  }
0x79: {  	_ =	shalt  }
0x7a: {  	_ =	shalt  }
0x7b: {  	_ =	shalt  }
0x7c: {  	_ =	shalt  }
0x7d: {  	_ =	shalt  }
0x7e: {  	_ =	shalt  }
0x7f: {  	_ =	shalt  }
0x80: {  	_ =	shalt  }
0x81: {  	_ =	shalt  }
0x82: {  	_ =	shalt  }
0x83: {  	_ =	shalt  }
0x84: {  	_ =	shalt  }
0x85: {  	_ =	shalt  }
0x86: {  	_ =	shalt  }
0x87: {  	_ =	shalt  }
.Lfunc_end0:
.L_simem_size_0:
called_computation_lowered:
.L_overlay_start_0:
0x88: {  	s2 =	sld [smem:$0x3FD9]  }
0x89: {  	s3 =	sld [smem:$0x3FFE];
	_ =	sdelay $0x1  }
0x8a: {  	s1 =	srdreg.scid  }
0x8b: {  	s0 =	sand.u32 $0x1, s1  }
0x8c: {  	s16 =	sshll.u32 s0, $0xA;
	s2 =	sadd.s32 s3, s2  }
0x8d: {  	s2 =	sadd.s32 s2, s16  }
0x8e: {  	[smem:$0x3FB6] =	sst s2  }
0x8f: {  	_ = 	snop  }
0x90: {  	(tm) =	ssettm $0x1  }
0x91: {  	s17 =	sld [smem:$0x3FFB];
	_ =	sdelay $0x3  }
0x92: {  	_ =	strace s17  }
0x93: {  	s2 =	sld [smem:$0x3FFC];
	_ =	sdelay $0x3  }
0x94: {  	_ =	strace s2  }
0x95: {  	s2 =	sld [smem:$0x3FFD];
	_ =	sdelay $0x3  }
0x96: {  	_ =	strace s2  }
0x97: {  	_ =	strace $0x8FFFFFFF  }
0x98: {  	s18 =	sld [smem:$0x3FDB];
	_ =	sdelay $0x1  }
0x99: {  	s19 =	simm.s32 $_scs_section_size  }
0x9a: {  	s4 =	simm.s32 $_size__tile_overlayer_lowered;
	s5 =	simm.s32 $_tile_overlayer_lowered  }
0x9b: {  	s22 =	simm.s32 $0x1BFF;
	s21 =	sshll.u32 s5, $0x1;
	s2 =	sadd.s32 s19, s18  }
0x9c: {  	s6 =	simm.s32 $0x0;
	s20 =	sshll.u32 s4, $0x1;
	s4 =	sadd.s32 s21, s2  }
0x9d: {  	[timem:s6], [sflag:s22] =	dma.local [hbm:s4], s20  }
0x9e: {  	_ =	swait.ge [sflag:s22], s20  }
0x9f: {  	s3 =	ssub.s32 $0x0, s20;
	[sflag:s22] =	ssyncset.done $0x0  }
0xa0: {  	[sflag:s22] =	ssyncadd.s32 s3;
	_ =	sdelay $0x1  }
0xa1: {  	s23 =	simm.s32 $0x1B8B  }
0xa2: {  	_ =	swait.ge [sflag:s23], $0x1  }
0xa3: {  	[sflag:s23] =	ssyncset.done $0x0  }
0xa4: {  	s25 =	simm.s32 $0x1B8E;
	s24 =	sld [smem:$0x3FFE];
	[sflag:s23] =	ssyncadd.s32 $0xFFFFFFFF  }
0xa5: {  	s26 =	simm.s32 $execute0_lowered;
	[smem:$0x3FD2] =	sst s25  }
0xa6: {  	s4 =	sshll.u32 s26, $0x1;
	_ =	strace $0x80000046;
	[dreg:$0x1] =	wrdreg $0xFFFFFFFF  }
0xa7: {  	s28 =	simm.s32 $_size_execute0_lowered;
	s2 =	sadd.s32 s2, s4;
	[dreg:$0x0] =	wrdreg $0x0  }
0xa8: {  	s4 =	sshll.u32 s28, $0x1;
	[dreg:$0x2] =	wrdreg s2  }
0xa9: {  	[dreg:$0x3] =	wrdreg s4  }
0xaa: {  	[dreg:$0x4] =	wrdreg $0xC0  }
0xab: {  	_ =	task [dreg:s6], $0x5FFFF  }
0xac: {  	[dreg:$0x1] =	wrdreg $0xFFFFFFFF  }
0xad: {  	[dreg:$0x0] =	wrdreg $0x60  }
0xae: {  	[dreg:$0x2] =	wrdreg s24  }
0xaf: {  	[dreg:$0x3] =	wrdreg $0x9  }
0xb0: {  	_ =	task.clear_ibuf [dreg:s6], $0x4FFFF;
	_ =	strace $0x90000046  }
0xb1: {  	s29 =	simm.s32 $0x9;
	_ =	strace $0x80000048  }
0xb2: {  	_ =	swait.ge [sflag:s29], $0x1  }
0xb3: {  	[sflag:s29] =	ssyncadd.s32 $0xFFFFFFFF  }
0xb4: {  	_ =	strace $0x90000048  }
0xb5: {  	_ =	sfence  }
0xb6: {  	s30 =	sld [smem:$0x0];
	_ =	sdelay $0x2  }
0xb7: {  	s31 =	sshll.u32 s1, $0xD;
	s1 =	sshrl.u32 s1, $0x2  }
0xb8: {  	s3 =	sand.u32 $0x4000, s31;
	s1 =	sadd.s32 s1, s30  }
0xb9: {  	s0 =	sor.u32 s3, s0;
	s1 =	sshll.u32 s1, $0x11  }
0xba: {  	s0 =	sor.u32 s1, s0  }
0xbb: {  	s0 =	sadd.s32 $0x8F2B, s0  }
0xbc: {  	[sflag:s0] =	ssyncadd.remote.s32 $0x1  }
0xbd: {  	_ =	sfence.sel $0xFFFF  }
0xbe: {  	[dreg:$0x0] =	wrdreg $0xFFFFFFFF;
	(pc) =	sbr.abs _section_cstart, $3  }
0xbf: {  	[dreg:$0x1] =	wrdreg $0xFFFFFFFF  }
0xc0: {  	_ =	task.clear_ibuf [dreg:s6], $0x2FFFF;
	_ =	strace $0x9FFFFFFF  }
0xc1: {  	(tm) =	ssettm $0x7FFFFFFF  }
tec
execute0_lowered:
.L_overlay_start_1:
0x0: {  	(tag) =	ssettag $0x1  }
0x1: {  	s1 =	srdreg.scid  }
0x2: {  	s0 =	stileid.u32;
	s4 =	rddreg [dreg:$0x0]  }
0x3: {  	s2 =	simm.s32 $0x0;
	s7 =	simm.s32 $0x2;
	s8 =	simm.s32 $0x80  }
0x4: {  	s9 =	simm.s32 $0x1;
	s3 =	sand.u32 $0x1, s1;
	s5 =	sshll.u32 s0, $0x1  }
0x5: {  	s10 =	simm.s32 $0xD000;
	s11 =	simm.s32 $0x0;
	s5 =	sor.u32 s3, s5  }
0x6: {  	[smem:$0x7FF] =	sst s2;
	s6 =	ssub.s32 $0x2, s3;
	s5 =	smul.u32 $0x1A00, s5  }
0x7: {  	s1 =	rddreg [dreg:$0x1];
	_ =	strace $0x80000047;
	s31 =	sshrl.u32 s6, $0x1  }
0x8: {  	s3 =	sadd.s32 $0x2A00, s4;
	s6 =	ssub.s32 s6, s31;
	s5 =	sadd.s32 s5, s4  }
0x9: {  	s6 =	smax.u32 s6, $0x1;
	s4 =	sadd.s32 $0x4F8400, s5;
	s5 =	sadd.s32 $0x52C400, s5  }
.LBB2_1:
0xa: {  	[tilespmem:s2], [sflag:$0x2] =	stream.linear.gather [hbm4b:s4+s2], $0xD000, $0x38;
	[tilespmem:$0x1A000] =	vst v63  }
0xb: {  	_ =	swait.ge [sflag:s7], $0xD000  }
0xc: {  	[sflag:s7] =	ssyncset.done $0x0  }
0xd: {  	s12 =	simm.s32 $0x0;
	s13 =	simm.s32 $0xD000;
	[sflag:s7] =	ssyncadd.s32 $0xFFFF3000  }
0xe: {  	[tilespmem:s13], [sflag:$0x1] =	stream.indirect.gather [hbm4b:s3+s8], $0x1, s12, s8, $0xb8;
	[tilespmem:$0x1A000] =	vst v63  }
0xf: {  	s19 =	simm.s32 $0xD080;
	s20 =	simm.s32 $0x80  }
0x10: {  	[tilespmem:s19], [sflag:$0x1] =	stream.indirect.gather [hbm4b:s3+s8], $0x1, s20, s8, $0xb8;
	[tilespmem:$0x1A000] =	vst v63  }
0x11: {  	s21 =	simm.s32 $0xD100;
	s22 =	simm.s32 $0x100  }
0x12: {  	[tilespmem:s21], [sflag:$0x1] =	stream.indirect.gather [hbm4b:s3+s8], $0x1, s22, s8, $0xb8;
	[tilespmem:$0x1A000] =	vst v63  }
0x13: {  	s23 =	simm.s32 $0xD180;
	s24 =	simm.s32 $0x180  }
0x14: {  	[tilespmem:s23], [sflag:$0x1] =	stream.indirect.gather [hbm4b:s3+s8], $0x1, s24, s8, $0xb8;
	[tilespmem:$0x1A000] =	vst v63  }
0x15: {  	s25 =	simm.s32 $0xD200;
	s26 =	simm.s32 $0x200  }
0x16: {  	[tilespmem:s25], [sflag:$0x1] =	stream.indirect.gather [hbm4b:s3+s8], $0x1, s26, s8, $0xb8;
	[tilespmem:$0x1A000] =	vst v63  }
0x17: {  	s28 =	simm.s32 $0xD280;
	s29 =	simm.s32 $0x280  }
0x18: {  	[tilespmem:s28], [sflag:$0x1] =	stream.indirect.gather [hbm4b:s3+s8], $0x1, s29, s8, $0xb8;
	[tilespmem:$0x1A000] =	vst v63  }
0x19: {  	s30 =	simm.s32 $0xD300;
	s31 =	simm.s32 $0x300  }
0x1a: {  	[tilespmem:s30], [sflag:$0x1] =	stream.indirect.gather [hbm4b:s3+s8], $0x1, s31, s8, $0xb8;
	[tilespmem:$0x1A000] =	vst v63  }
0x1b: {  	s14 =	simm.s32 $0x380;
	s13 =	simm.s32 $0xD380  }
0x1c: {  	[tilespmem:s13], [sflag:$0x1] =	stream.indirect.gather [hbm4b:s3+s8], $0x1, s14, s8, $0xb8;
	[tilespmem:$0x1A000] =	vst v63  }
0x1d: {  	s15 =	simm.s32 $0xD400;
	s16 =	simm.s32 $0x400  }
0x1e: {  	[tilespmem:s15], [sflag:$0x1] =	stream.indirect.gather [hbm4b:s3+s8], $0x1, s16, s8, $0xb8;
	[tilespmem:$0x1A000] =	vst v63  }
0x1f: {  	s17 =	simm.s32 $0xD480;
	s18 =	simm.s32 $0x480  }
0x20: {  	[tilespmem:s17], [sflag:$0x1] =	stream.indirect.gather [hbm4b:s3+s8], $0x1, s18, s8, $0xb8;
	[tilespmem:$0x1A000] =	vst v63  }
0x21: {  	s19 =	simm.s32 $0xD500;
	s20 =	simm.s32 $0x500  }
0x22: {  	[tilespmem:s19], [sflag:$0x1] =	stream.indirect.gather [hbm4b:s3+s8], $0x1, s20, s8, $0xb8;
	[tilespmem:$0x1A000] =	vst v63  }
0x23: {  	s21 =	simm.s32 $0xD580;
	s22 =	simm.s32 $0x580  }
0x24: {  	[tilespmem:s21], [sflag:$0x1] =	stream.indirect.gather [hbm4b:s3+s8], $0x1, s22, s8, $0xb8;
	[tilespmem:$0x1A000] =	vst v63  }
0x25: {  	s23 =	simm.s32 $0xD600;
	s24 =	simm.s32 $0x600  }
0x26: {  	[tilespmem:s23], [sflag:$0x1] =	stream.indirect.gather [hbm4b:s3+s8], $0x1, s24, s8, $0xb8;
	[tilespmem:$0x1A000] =	vst v63  }
0x27: {  	s25 =	simm.s32 $0xD680;
	s26 =	simm.s32 $0x680  }
0x28: {  	[tilespmem:s25], [sflag:$0x1] =	stream.indirect.gather [hbm4b:s3+s8], $0x1, s26, s8, $0xb8;
	[tilespmem:$0x1A000] =	vst v63  }
0x29: {  	p1 =	por $0x1, $0x1;
	s28 =	simm.s32 $0xD700;
	s29 =	simm.s32 $0x700  }
0x2a: {  	[tilespmem:s28], [sflag:$0x1] =	stream.indirect.gather [hbm4b:s3+s8], $0x1, s29, s8, $0xb8;
	[tilespmem:$0x1A000] =	vst v63  }
0x2b: {  	s30 =	simm.s32 $0xD780;
	s31 =	simm.s32 $0x780;
	s14 =	simm.s32 @!p1 $0x1  }
0x2c: {  	[tilespmem:s30], [sflag:$0x1] =	stream.indirect.gather [hbm4b:s3+s8], $0x1, s31, s8, $0xb8;
	[tilespmem:$0x1A000] =	vst v63  }
0x2d: {  	_ =	swait.ge @!p1 [sflag:s14], $0x80  }
0x2e: {  	[sflag:s14] =	ssyncset.done @!p1 $0x0  }
0x2f: {  	[sflag:s14] =	ssyncadd.s32 @!p1 $0xFFFFFF80  }
0x30: {  	_ =	swait.ge @!p1 [sflag:s14], $0x80  }
0x31: {  	[sflag:s14] =	ssyncset.done @!p1 $0x0  }
0x32: {  	[sflag:s14] =	ssyncadd.s32 @!p1 $0xFFFFFF80  }
0x33: {  	_ =	swait.ge @!p1 [sflag:s14], $0x80  }
0x34: {  	[sflag:s14] =	ssyncset.done @!p1 $0x0  }
0x35: {  	[sflag:s14] =	ssyncadd.s32 @!p1 $0xFFFFFF80  }
0x36: {  	_ =	swait.ge @!p1 [sflag:s14], $0x80  }
0x37: {  	[sflag:s14] =	ssyncset.done @!p1 $0x0  }
0x38: {  	[sflag:s14] =	ssyncadd.s32 @!p1 $0xFFFFFF80  }
0x39: {  	_ =	swait.ge @!p1 [sflag:s14], $0x80  }
0x3a: {  	[sflag:s14] =	ssyncset.done @!p1 $0x0  }
0x3b: {  	[sflag:s14] =	ssyncadd.s32 @!p1 $0xFFFFFF80  }
0x3c: {  	_ =	swait.ge @!p1 [sflag:s14], $0x80  }
0x3d: {  	[sflag:s14] =	ssyncset.done @!p1 $0x0  }
0x3e: {  	[sflag:s14] =	ssyncadd.s32 @!p1 $0xFFFFFF80  }
0x3f: {  	_ =	swait.ge @!p1 [sflag:s14], $0x80  }
0x40: {  	[sflag:s14] =	ssyncset.done @!p1 $0x0  }
0x41: {  	[sflag:s14] =	ssyncadd.s32 @!p1 $0xFFFFFF80  }
0x42: {  	_ =	swait.ge @!p1 [sflag:s14], $0x80  }
0x43: {  	[sflag:s14] =	ssyncset.done @!p1 $0x0  }
0x44: {  	[sflag:s14] =	ssyncadd.s32 @!p1 $0xFFFFFF80  }
0x45: {  	_ =	swait.ge @!p1 [sflag:s14], $0x80  }
0x46: {  	[sflag:s14] =	ssyncset.done @!p1 $0x0  }
0x47: {  	[sflag:s14] =	ssyncadd.s32 @!p1 $0xFFFFFF80  }
0x48: {  	_ =	swait.ge @!p1 [sflag:s14], $0x80  }
0x49: {  	[sflag:s14] =	ssyncset.done @!p1 $0x0  }
0x4a: {  	[sflag:s14] =	ssyncadd.s32 @!p1 $0xFFFFFF80  }
0x4b: {  	_ =	swait.ge @!p1 [sflag:s14], $0x80  }
0x4c: {  	[sflag:s14] =	ssyncset.done @!p1 $0x0  }
0x4d: {  	[sflag:s14] =	ssyncadd.s32 @!p1 $0xFFFFFF80  }
0x4e: {  	_ =	swait.ge @!p1 [sflag:s14], $0x80  }
0x4f: {  	[sflag:s14] =	ssyncset.done @!p1 $0x0  }
0x50: {  	[sflag:s14] =	ssyncadd.s32 @!p1 $0xFFFFFF80  }
0x51: {  	_ =	swait.ge @!p1 [sflag:s14], $0x80  }
0x52: {  	[sflag:s14] =	ssyncset.done @!p1 $0x0  }
0x53: {  	[sflag:s14] =	ssyncadd.s32 @!p1 $0xFFFFFF80  }
0x54: {  	_ =	swait.ge @!p1 [sflag:s14], $0x80  }
0x55: {  	[sflag:s14] =	ssyncset.done @!p1 $0x0  }
0x56: {  	[sflag:s14] =	ssyncadd.s32 @!p1 $0xFFFFFF80  }
0x57: {  	_ =	swait.ge @!p1 [sflag:s14], $0x80  }
0x58: {  	[sflag:s14] =	ssyncset.done @!p1 $0x0  }
0x59: {  	[sflag:s14] =	ssyncadd.s32 @!p1 $0xFFFFFF80  }
0x5a: {  	s12 =	simm.s32 $0x2000;
	s13 =	simm.s32 $0x4000;
	_ =	swait.ge @!p1 [sflag:s14], $0x80  }
.LBB2_2:
0x5b: {  	s16 =	sshra.s32 s12, $0x2  }
0x5c: {  	[sflag:s14] =	ssyncset.done @!p1 $0x0;
	s15 =	smov.u32 s13;
	s13 =	sadd.s32 $0x2000, s13  }
0x5d: {  	p0 =	sne.s32 s13, $0x34000;
	s17 =	sadd.s32 $0xD000, s16;
	[sflag:s14] =	ssyncadd.s32 @!p1 $0xFFFFFF80  }
0x5e: {  	[tilespmem:s17], [sflag:$0x1] =	stream.indirect.gather [hbm4b:s3+s8], $0x1, s16, s8, $0xb8;
	[tilespmem:$0x1A000] =	vst v63  }
0x5f: {  	s14 =	sadd.s32 $0xD080, s16;
	s17 =	sadd.s32 $0x80, s16  }
0x60: {  	[tilespmem:s14], [sflag:$0x1] =	stream.indirect.gather [hbm4b:s3+s8], $0x1, s17, s8, $0xb8;
	[tilespmem:$0x1A000] =	vst v63  }
0x61: {  	s14 =	sadd.s32 $0xD100, s16;
	s17 =	sadd.s32 $0x100, s16  }
0x62: {  	[tilespmem:s14], [sflag:$0x1] =	stream.indirect.gather [hbm4b:s3+s8], $0x1, s17, s8, $0xb8;
	[tilespmem:$0x1A000] =	vst v63  }
0x63: {  	s14 =	sadd.s32 $0xD180, s16;
	s17 =	sadd.s32 $0x180, s16  }
0x64: {  	[tilespmem:s14], [sflag:$0x1] =	stream.indirect.gather [hbm4b:s3+s8], $0x1, s17, s8, $0xb8;
	[tilespmem:$0x1A000] =	vst v63  }
0x65: {  	s14 =	sadd.s32 $0xD200, s16;
	s17 =	sadd.s32 $0x200, s16  }
0x66: {  	[tilespmem:s14], [sflag:$0x1] =	stream.indirect.gather [hbm4b:s3+s8], $0x1, s17, s8, $0xb8;
	[tilespmem:$0x1A000] =	vst v63  }
0x67: {  	s14 =	sadd.s32 $0xD280, s16;
	s17 =	sadd.s32 $0x280, s16  }
0x68: {  	[tilespmem:s14], [sflag:$0x1] =	stream.indirect.gather [hbm4b:s3+s8], $0x1, s17, s8, $0xb8;
	[tilespmem:$0x1A000] =	vst v63  }
0x69: {  	s14 =	sadd.s32 $0xD300, s16;
	s17 =	sadd.s32 $0x300, s16  }
0x6a: {  	[tilespmem:s14], [sflag:$0x1] =	stream.indirect.gather [hbm4b:s3+s8], $0x1, s17, s8, $0xb8;
	[tilespmem:$0x1A000] =	vst v63  }
0x6b: {  	s14 =	sadd.s32 $0xD380, s16;
	s17 =	sadd.s32 $0x380, s16  }
0x6c: {  	[tilespmem:s14], [sflag:$0x1] =	stream.indirect.gather [hbm4b:s3+s8], $0x1, s17, s8, $0xb8;
	[tilespmem:$0x1A000] =	vst v63  }
0x6d: {  	s14 =	sadd.s32 $0xD400, s16;
	s17 =	sadd.s32 $0x400, s16  }
0x6e: {  	[tilespmem:s14], [sflag:$0x1] =	stream.indirect.gather [hbm4b:s3+s8], $0x1, s17, s8, $0xb8;
	[tilespmem:$0x1A000] =	vst v63  }
0x6f: {  	s14 =	sadd.s32 $0xD480, s16;
	s17 =	sadd.s32 $0x480, s16  }
0x70: {  	[tilespmem:s14], [sflag:$0x1] =	stream.indirect.gather [hbm4b:s3+s8], $0x1, s17, s8, $0xb8;
	[tilespmem:$0x1A000] =	vst v63  }
0x71: {  	s14 =	sadd.s32 $0xD500, s16;
	s17 =	sadd.s32 $0x500, s16  }
0x72: {  	[tilespmem:s14], [sflag:$0x1] =	stream.indirect.gather [hbm4b:s3+s8], $0x1, s17, s8, $0xb8;
	[tilespmem:$0x1A000] =	vst v63  }
0x73: {  	s14 =	sadd.s32 $0xD580, s16;
	s17 =	sadd.s32 $0x580, s16  }
0x74: {  	[tilespmem:s14], [sflag:$0x1] =	stream.indirect.gather [hbm4b:s3+s8], $0x1, s17, s8, $0xb8;
	[tilespmem:$0x1A000] =	vst v63  }
0x75: {  	s14 =	sadd.s32 $0xD600, s16;
	s17 =	sadd.s32 $0x600, s16  }
0x76: {  	[tilespmem:s14], [sflag:$0x1] =	stream.indirect.gather [hbm4b:s3+s8], $0x1, s17, s8, $0xb8;
	[tilespmem:$0x1A000] =	vst v63  }
0x77: {  	s14 =	sadd.s32 $0xD680, s16;
	s17 =	sadd.s32 $0x680, s16  }
0x78: {  	[tilespmem:s14], [sflag:$0x1] =	stream.indirect.gather [hbm4b:s3+s8], $0x1, s17, s8, $0xb8;
	[tilespmem:$0x1A000] =	vst v63  }
0x79: {  	s14 =	sadd.s32 $0xD700, s16;
	s17 =	sadd.s32 $0x700, s16  }
0x7a: {  	[tilespmem:s14], [sflag:$0x1] =	stream.indirect.gather [hbm4b:s3+s8], $0x1, s17, s8, $0xb8;
	[tilespmem:$0x1A000] =	vst v63  }
0x7b: {  	p1 =	seq.s32 s12, $0x0;
	s14 =	sadd.s32 $0xD780, s16;
	s16 =	sadd.s32 $0x780, s16  }
0x7c: {  	[tilespmem:s14], [sflag:$0x1] =	stream.indirect.gather [hbm4b:s3+s8], $0x1, s16, s8, $0xb8;
	[tilespmem:$0x1A000] =	vst v63  }
0x7d: {  	s12 =	smov.u32 s15;
	s14 =	simm.s32 @!p1 $0x1  }
0x7e: {  	_ =	swait.ge @!p1 [sflag:s14], $0x80  }
0x7f: {  	[sflag:s14] =	ssyncset.done @!p1 $0x0  }
0x80: {  	[sflag:s14] =	ssyncadd.s32 @!p1 $0xFFFFFF80  }
0x81: {  	_ =	swait.ge @!p1 [sflag:s14], $0x80  }
0x82: {  	[sflag:s14] =	ssyncset.done @!p1 $0x0  }
0x83: {  	[sflag:s14] =	ssyncadd.s32 @!p1 $0xFFFFFF80  }
0x84: {  	_ =	swait.ge @!p1 [sflag:s14], $0x80  }
0x85: {  	[sflag:s14] =	ssyncset.done @!p1 $0x0  }
0x86: {  	[sflag:s14] =	ssyncadd.s32 @!p1 $0xFFFFFF80  }
0x87: {  	_ =	swait.ge @!p1 [sflag:s14], $0x80  }
0x88: {  	[sflag:s14] =	ssyncset.done @!p1 $0x0  }
0x89: {  	[sflag:s14] =	ssyncadd.s32 @!p1 $0xFFFFFF80  }
0x8a: {  	_ =	swait.ge @!p1 [sflag:s14], $0x80  }
0x8b: {  	[sflag:s14] =	ssyncset.done @!p1 $0x0  }
0x8c: {  	[sflag:s14] =	ssyncadd.s32 @!p1 $0xFFFFFF80  }
0x8d: {  	_ =	swait.ge @!p1 [sflag:s14], $0x80  }
0x8e: {  	[sflag:s14] =	ssyncset.done @!p1 $0x0  }
0x8f: {  	[sflag:s14] =	ssyncadd.s32 @!p1 $0xFFFFFF80  }
0x90: {  	_ =	swait.ge @!p1 [sflag:s14], $0x80  }
0x91: {  	[sflag:s14] =	ssyncset.done @!p1 $0x0  }
0x92: {  	[sflag:s14] =	ssyncadd.s32 @!p1 $0xFFFFFF80  }
0x93: {  	_ =	swait.ge @!p1 [sflag:s14], $0x80  }
0x94: {  	[sflag:s14] =	ssyncset.done @!p1 $0x0  }
0x95: {  	[sflag:s14] =	ssyncadd.s32 @!p1 $0xFFFFFF80  }
0x96: {  	_ =	swait.ge @!p1 [sflag:s14], $0x80  }
0x97: {  	[sflag:s14] =	ssyncset.done @!p1 $0x0  }
0x98: {  	[sflag:s14] =	ssyncadd.s32 @!p1 $0xFFFFFF80  }
0x99: {  	_ =	swait.ge @!p1 [sflag:s14], $0x80  }
0x9a: {  	[sflag:s14] =	ssyncset.done @!p1 $0x0  }
0x9b: {  	[sflag:s14] =	ssyncadd.s32 @!p1 $0xFFFFFF80  }
0x9c: {  	_ =	swait.ge @!p1 [sflag:s14], $0x80  }
0x9d: {  	[sflag:s14] =	ssyncset.done @!p1 $0x0  }
0x9e: {  	[sflag:s14] =	ssyncadd.s32 @!p1 $0xFFFFFF80  }
0x9f: {  	_ =	swait.ge @!p1 [sflag:s14], $0x80  }
0xa0: {  	[sflag:s14] =	ssyncset.done @!p1 $0x0  }
0xa1: {  	[sflag:s14] =	ssyncadd.s32 @!p1 $0xFFFFFF80  }
0xa2: {  	_ =	swait.ge @!p1 [sflag:s14], $0x80  }
0xa3: {  	[sflag:s14] =	ssyncset.done @!p1 $0x0  }
0xa4: {  	[sflag:s14] =	ssyncadd.s32 @!p1 $0xFFFFFF80  }
0xa5: {  	_ =	swait.ge @!p1 [sflag:s14], $0x80  }
0xa6: {  	[sflag:s14] =	ssyncset.done @!p1 $0x0  }
.Ltmp0:
0xa7: {  	[sflag:s14] =	ssyncadd.s32 @!p1 $0xFFFFFF80;
	(pc) =	sbr.rel @p0 .LBB2_2-.Ltmp0, $4  }
0xa8: {  	_ =	swait.ge @!p1 [sflag:s14], $0x80  }
0xa9: {  	[sflag:s14] =	ssyncset.done @!p1 $0x0  }
0xaa: {  	[sflag:s14] =	ssyncadd.s32 @!p1 $0xFFFFFF80  }
0xab: {  	_ =	swait.ge @!p1 [sflag:s14], $0x80  }
0xac: {  	s13 =	sshra.s32 s12, $0x2;
	[sflag:s14] =	ssyncset.done @!p1 $0x0  }
0xad: {  	s15 =	sadd.s32 $0xD000, s13;
	[sflag:s14] =	ssyncadd.s32 @!p1 $0xFFFFFF80  }
0xae: {  	[tilespmem:s15], [sflag:$0x1] =	stream.indirect.gather [hbm4b:s3+s8], $0x1, s13, s8, $0xb8;
	[tilespmem:$0x1A000] =	vst v63  }
0xaf: {  	s17 =	sadd.s32 $0xD080, s13;
	s18 =	sadd.s32 $0x80, s13  }
0xb0: {  	[tilespmem:s17], [sflag:$0x1] =	stream.indirect.gather [hbm4b:s3+s8], $0x1, s18, s8, $0xb8;
	[tilespmem:$0x1A000] =	vst v63  }
0xb1: {  	s19 =	sadd.s32 $0xD100, s13;
	s20 =	sadd.s32 $0x100, s13  }
0xb2: {  	[tilespmem:s19], [sflag:$0x1] =	stream.indirect.gather [hbm4b:s3+s8], $0x1, s20, s8, $0xb8;
	[tilespmem:$0x1A000] =	vst v63  }
0xb3: {  	s21 =	sadd.s32 $0xD180, s13;
	s22 =	sadd.s32 $0x180, s13  }
0xb4: {  	[tilespmem:s21], [sflag:$0x1] =	stream.indirect.gather [hbm4b:s3+s8], $0x1, s22, s8, $0xb8;
	[tilespmem:$0x1A000] =	vst v63  }
0xb5: {  	s23 =	sadd.s32 $0xD200, s13;
	s24 =	sadd.s32 $0x200, s13  }
0xb6: {  	[tilespmem:s23], [sflag:$0x1] =	stream.indirect.gather [hbm4b:s3+s8], $0x1, s24, s8, $0xb8;
	[tilespmem:$0x1A000] =	vst v63  }
0xb7: {  	s25 =	sadd.s32 $0xD280, s13;
	s26 =	sadd.s32 $0x280, s13  }
0xb8: {  	[tilespmem:s25], [sflag:$0x1] =	stream.indirect.gather [hbm4b:s3+s8], $0x1, s26, s8, $0xb8;
	[tilespmem:$0x1A000] =	vst v63  }
0xb9: {  	s28 =	sadd.s32 $0xD300, s13;
	s29 =	sadd.s32 $0x300, s13  }
0xba: {  	[tilespmem:s28], [sflag:$0x1] =	stream.indirect.gather [hbm4b:s3+s8], $0x1, s29, s8, $0xb8;
	[tilespmem:$0x1A000] =	vst v63  }
0xbb: {  	s30 =	sadd.s32 $0xD380, s13;
	s31 =	sadd.s32 $0x380, s13  }
0xbc: {  	[tilespmem:s30], [sflag:$0x1] =	stream.indirect.gather [hbm4b:s3+s8], $0x1, s31, s8, $0xb8;
	[tilespmem:$0x1A000] =	vst v63  }
0xbd: {  	s16 =	sadd.s32 $0xD400, s13;
	s17 =	sadd.s32 $0x400, s13  }
0xbe: {  	[tilespmem:s16], [sflag:$0x1] =	stream.indirect.gather [hbm4b:s3+s8], $0x1, s17, s8, $0xb8;
	[tilespmem:$0x1A000] =	vst v63  }
0xbf: {  	s18 =	sadd.s32 $0xD480, s13;
	s19 =	sadd.s32 $0x480, s13  }
0xc0: {  	[tilespmem:s18], [sflag:$0x1] =	stream.indirect.gather [hbm4b:s3+s8], $0x1, s19, s8, $0xb8;
	[tilespmem:$0x1A000] =	vst v63  }
0xc1: {  	s20 =	sadd.s32 $0xD500, s13;
	s21 =	sadd.s32 $0x500, s13  }
0xc2: {  	[tilespmem:s20], [sflag:$0x1] =	stream.indirect.gather [hbm4b:s3+s8], $0x1, s21, s8, $0xb8;
	[tilespmem:$0x1A000] =	vst v63  }
0xc3: {  	s22 =	sadd.s32 $0xD580, s13;
	s23 =	sadd.s32 $0x580, s13  }
0xc4: {  	[tilespmem:s22], [sflag:$0x1] =	stream.indirect.gather [hbm4b:s3+s8], $0x1, s23, s8, $0xb8;
	[tilespmem:$0x1A000] =	vst v63  }
0xc5: {  	s24 =	sadd.s32 $0xD600, s13;
	s25 =	sadd.s32 $0x600, s13  }
0xc6: {  	[tilespmem:s24], [sflag:$0x1] =	stream.indirect.gather [hbm4b:s3+s8], $0x1, s25, s8, $0xb8;
	[tilespmem:$0x1A000] =	vst v63  }
0xc7: {  	s26 =	sadd.s32 $0xD680, s13;
	s28 =	sadd.s32 $0x680, s13  }
0xc8: {  	[tilespmem:s26], [sflag:$0x1] =	stream.indirect.gather [hbm4b:s3+s8], $0x1, s28, s8, $0xb8;
	[tilespmem:$0x1A000] =	vst v63  }
0xc9: {  	p0 =	seq.s32 s12, $0x0;
	s29 =	sadd.s32 $0xD700, s13;
	s30 =	sadd.s32 $0x700, s13  }
0xca: {  	[tilespmem:s29], [sflag:$0x1] =	stream.indirect.gather [hbm4b:s3+s8], $0x1, s30, s8, $0xb8;
	[tilespmem:$0x1A000] =	vst v63  }
0xcb: {  	s12 =	simm.s32 @!p0 $0x1;
	s31 =	sadd.s32 $0xD780, s13;
	s13 =	sadd.s32 $0x780, s13  }
0xcc: {  	[tilespmem:s31], [sflag:$0x1] =	stream.indirect.gather [hbm4b:s3+s8], $0x1, s13, s8, $0xb8;
	[tilespmem:$0x1A000] =	vst v63  }
0xcd: {  	_ =	swait.ge @!p0 [sflag:s12], $0x80  }
0xce: {  	[sflag:s12] =	ssyncset.done @!p0 $0x0  }
0xcf: {  	[sflag:s12] =	ssyncadd.s32 @!p0 $0xFFFFFF80  }
0xd0: {  	_ =	swait.ge @!p0 [sflag:s12], $0x80  }
0xd1: {  	[sflag:s12] =	ssyncset.done @!p0 $0x0  }
0xd2: {  	[sflag:s12] =	ssyncadd.s32 @!p0 $0xFFFFFF80  }
0xd3: {  	_ =	swait.ge @!p0 [sflag:s12], $0x80  }
0xd4: {  	[sflag:s12] =	ssyncset.done @!p0 $0x0  }
0xd5: {  	[sflag:s12] =	ssyncadd.s32 @!p0 $0xFFFFFF80  }
0xd6: {  	_ =	swait.ge @!p0 [sflag:s12], $0x80  }
0xd7: {  	[sflag:s12] =	ssyncset.done @!p0 $0x0  }
0xd8: {  	[sflag:s12] =	ssyncadd.s32 @!p0 $0xFFFFFF80  }
0xd9: {  	_ =	swait.ge @!p0 [sflag:s12], $0x80  }
0xda: {  	[sflag:s12] =	ssyncset.done @!p0 $0x0  }
0xdb: {  	[sflag:s12] =	ssyncadd.s32 @!p0 $0xFFFFFF80  }
0xdc: {  	_ =	swait.ge @!p0 [sflag:s12], $0x80  }
0xdd: {  	[sflag:s12] =	ssyncset.done @!p0 $0x0  }
0xde: {  	[sflag:s12] =	ssyncadd.s32 @!p0 $0xFFFFFF80  }
0xdf: {  	_ =	swait.ge @!p0 [sflag:s12], $0x80  }
0xe0: {  	[sflag:s12] =	ssyncset.done @!p0 $0x0  }
0xe1: {  	[sflag:s12] =	ssyncadd.s32 @!p0 $0xFFFFFF80  }
0xe2: {  	_ =	swait.ge @!p0 [sflag:s12], $0x80  }
0xe3: {  	[sflag:s12] =	ssyncset.done @!p0 $0x0  }
0xe4: {  	[sflag:s12] =	ssyncadd.s32 @!p0 $0xFFFFFF80  }
0xe5: {  	_ =	swait.ge @!p0 [sflag:s12], $0x80  }
0xe6: {  	[sflag:s12] =	ssyncset.done @!p0 $0x0  }
0xe7: {  	[sflag:s12] =	ssyncadd.s32 @!p0 $0xFFFFFF80  }
0xe8: {  	_ =	swait.ge @!p0 [sflag:s12], $0x80  }
0xe9: {  	[sflag:s12] =	ssyncset.done @!p0 $0x0  }
0xea: {  	[sflag:s12] =	ssyncadd.s32 @!p0 $0xFFFFFF80  }
0xeb: {  	_ =	swait.ge @!p0 [sflag:s12], $0x80  }
0xec: {  	[sflag:s12] =	ssyncset.done @!p0 $0x0  }
0xed: {  	[sflag:s12] =	ssyncadd.s32 @!p0 $0xFFFFFF80  }
0xee: {  	_ =	swait.ge @!p0 [sflag:s12], $0x80  }
0xef: {  	[sflag:s12] =	ssyncset.done @!p0 $0x0  }
0xf0: {  	[sflag:s12] =	ssyncadd.s32 @!p0 $0xFFFFFF80  }
0xf1: {  	_ =	swait.ge @!p0 [sflag:s12], $0x80  }
0xf2: {  	[sflag:s12] =	ssyncset.done @!p0 $0x0  }
0xf3: {  	[sflag:s12] =	ssyncadd.s32 @!p0 $0xFFFFFF80  }
0xf4: {  	_ =	swait.ge @!p0 [sflag:s12], $0x80  }
0xf5: {  	[sflag:s12] =	ssyncset.done @!p0 $0x0  }
0xf6: {  	[sflag:s12] =	ssyncadd.s32 @!p0 $0xFFFFFF80  }
0xf7: {  	_ =	swait.ge @!p0 [sflag:s12], $0x80  }
0xf8: {  	[sflag:s12] =	ssyncset.done @!p0 $0x0  }
0xf9: {  	[sflag:s12] =	ssyncadd.s32 @!p0 $0xFFFFFF80  }
0xfa: {  	_ =	swait.ge @!p0 [sflag:s12], $0x80  }
0xfb: {  	[sflag:s12] =	ssyncset.done @!p0 $0x0  }
0xfc: {  	[sflag:s12] =	ssyncadd.s32 @!p0 $0xFFFFFF80  }
0xfd: {  	_ =	swait.ge [sflag:s9], $0x80  }
0xfe: {  	[sflag:s9] =	ssyncset.done $0x0  }
0xff: {  	[sflag:s9] =	ssyncadd.s32 $0xFFFFFF80  }
0x100: {  	_ =	swait.ge [sflag:s9], $0x80  }
0x101: {  	[sflag:s9] =	ssyncset.done $0x0  }
0x102: {  	[sflag:s9] =	ssyncadd.s32 $0xFFFFFF80  }
0x103: {  	_ =	swait.ge [sflag:s9], $0x80  }
0x104: {  	[sflag:s9] =	ssyncset.done $0x0  }
0x105: {  	[sflag:s9] =	ssyncadd.s32 $0xFFFFFF80  }
0x106: {  	_ =	swait.ge [sflag:s9], $0x80  }
0x107: {  	[sflag:s9] =	ssyncset.done $0x0  }
0x108: {  	[sflag:s9] =	ssyncadd.s32 $0xFFFFFF80  }
0x109: {  	_ =	swait.ge [sflag:s9], $0x80  }
0x10a: {  	[sflag:s9] =	ssyncset.done $0x0  }
0x10b: {  	[sflag:s9] =	ssyncadd.s32 $0xFFFFFF80  }
0x10c: {  	_ =	swait.ge [sflag:s9], $0x80  }
0x10d: {  	[sflag:s9] =	ssyncset.done $0x0  }
0x10e: {  	[sflag:s9] =	ssyncadd.s32 $0xFFFFFF80  }
0x10f: {  	_ =	swait.ge [sflag:s9], $0x80  }
0x110: {  	[sflag:s9] =	ssyncset.done $0x0  }
0x111: {  	[sflag:s9] =	ssyncadd.s32 $0xFFFFFF80  }
0x112: {  	_ =	swait.ge [sflag:s9], $0x80  }
0x113: {  	[sflag:s9] =	ssyncset.done $0x0  }
0x114: {  	[sflag:s9] =	ssyncadd.s32 $0xFFFFFF80  }
0x115: {  	_ =	swait.ge [sflag:s9], $0x80  }
0x116: {  	[sflag:s9] =	ssyncset.done $0x0  }
0x117: {  	[sflag:s9] =	ssyncadd.s32 $0xFFFFFF80  }
0x118: {  	_ =	swait.ge [sflag:s9], $0x80  }
0x119: {  	[sflag:s9] =	ssyncset.done $0x0  }
0x11a: {  	[sflag:s9] =	ssyncadd.s32 $0xFFFFFF80  }
0x11b: {  	_ =	swait.ge [sflag:s9], $0x80  }
0x11c: {  	[sflag:s9] =	ssyncset.done $0x0  }
0x11d: {  	[sflag:s9] =	ssyncadd.s32 $0xFFFFFF80  }
0x11e: {  	_ =	swait.ge [sflag:s9], $0x80  }
0x11f: {  	[sflag:s9] =	ssyncset.done $0x0  }
0x120: {  	[sflag:s9] =	ssyncadd.s32 $0xFFFFFF80  }
0x121: {  	_ =	swait.ge [sflag:s9], $0x80  }
0x122: {  	[sflag:s9] =	ssyncset.done $0x0  }
0x123: {  	[sflag:s9] =	ssyncadd.s32 $0xFFFFFF80  }
0x124: {  	_ =	swait.ge [sflag:s9], $0x80  }
0x125: {  	[sflag:s9] =	ssyncset.done $0x0  }
0x126: {  	[sflag:s9] =	ssyncadd.s32 $0xFFFFFF80  }
0x127: {  	_ =	swait.ge [sflag:s9], $0x80  }
0x128: {  	[sflag:s9] =	ssyncset.done $0x0  }
0x129: {  	[sflag:s9] =	ssyncadd.s32 $0xFFFFFF80  }
0x12a: {  	s11 =	sadd.s32 $0x1, s11;
	_ =	swait.ge [sflag:s9], $0x80  }
0x12b: {  	p0 =	sne.s32 s11, s6;
	[sflag:s9] =	ssyncset.done $0x0  }
.Ltmp1:
0x12c: {  	[sflag:s9] =	ssyncadd.s32 $0xFFFFFF80;
	(pc) =	sbr.rel @p0 .LBB2_1-.Ltmp1, $4  }
0x12d: {  	[hbm4b:s5+s2] =	stream.linear.scatter [tilespmem:s10], [sflag:$0x2], $0xD000, $0x38;
	[tilespmem:$0x1A000] =	vst v63  }
0x12e: {  	_ =	swait.ge [sflag:s7], $0xD000  }
0x12f: {  	[sflag:s7] =	ssyncset.done $0x0  }
0x130: {  	[sflag:s7] =	ssyncadd.s32 $0xFFFF3000  }
0x131: {  	_ =	sfence.sel $0x180000  }
0x132: {  	[bflag:$0x0] =	sbarrier.arrive $0xFFFF  }
0x133: {  	p0 =	sne.s32 s0, $0x0;
	_ =	strace $0x90000047  }
0x134: {  	s0 =	sadd.s32 @!p0 $0x100000, s1;
	[bflag:$0x2] =	sbarrier.arrive $0xFFFF  }
0x135: {  	[sflag:s0] =	ssyncadd.tile.s32 @!p0 $0x1;
	_ =	shalt  }
.Lfunc_end2:
_tile_overlayer_lowered:
.L_overlay_start_2:
0x136: {  	(tag) =	ssettag $0x2  }
0x137: {  	s0 =	rddreg [dreg:$0x0];
	s2 =	stileid.u32  }
0x138: {  	s1 =	rddreg [dreg:$0x1];
	p0 =	sne.s32 s2, $0x0  }
0x139: {  	s3 =	rddreg [dreg:$0x2];
	[bflag:$0x3] =	sbarrier.arrive $0xFFFF;
	s2 =	simm.s32 @!p0 $0x1C02  }
0x13a: {  	[timem:s3], [sflag:s2] =	dma.local @!p0 [hbm:s0], s1  }
0x13b: {  	s0 =	simm.s32 @!p0 $0x2  }
0x13c: {  	_ =	swait.ge @!p0 [sflag:s0], s1  }
0x13d: {  	s1 =	ssub.s32 @!p0 $0x0, s1;
	[sflag:s0] =	ssyncset.done @!p0 $0x0  }
0x13e: {  	[sflag:s0] =	ssyncadd.s32 @!p0 s1  }
0x13f: {  	[bflag:$0x3] =	sbarrier.arrive $0xFFFF  }
0x140: {  	_ =	shalt  }

</sc_bundles>
